<compile_context>
chip_gen: v7x
topology: tpu7x:2x2x1
jax: 0.10.2.dev20260603
libtpu: 0.0.44.dev20260713+nightly
codegen_flags: <defaults>
</compile_context>

<pallas_src>
import functools
import math

import jax
import jax.numpy as jnp
from jax import lax
from jax.experimental import pallas as pl
from jax.experimental.pallas import tpu as pltpu
from jax.experimental.pallas import tpu_sc as plsc

N = 10000
E = 320000
D = 128
G = 64
EPS = 1e-5
BN_SCALE = 1.0 / math.sqrt(1.0 + EPS)

NC = 2
NS = 16
NW = NC * NS

NPAD = 10240
TILE_ROWS = NPAD // NS
EC = 128
CHUNKS = (E + NW * EC - 1) // (NW * EC)
EPAD = NW * CHUNKS * EC

RBLK = 512
NBLK = NPAD // RBLK

_sc_mesh = plsc.VectorSubcoreMesh(core_axis_name="c", subcore_axis_name="s",
                                  num_cores=NC, num_subcores=NS)



@functools.partial(
    pl.kernel,
    out_type=jax.ShapeDtypeStruct((NC, NPAD, D), jnp.float32),
    mesh=_sc_mesh,
    scratch_types=[
        pltpu.VMEM((CHUNKS, EC), jnp.int32),
        pltpu.VMEM((EC, D), jnp.float32),
        pltpu.VMEM_SHARED((NPAD, D), jnp.float32),
    ],
)
def _deg_sc(dst_hbm, zrows_hbm, ones_hbm, out_hbm, dst_v, ones_v, acc_sh):
    c = lax.axis_index("c")
    s = lax.axis_index("s")
    wid = c * NS + s
    base = s * TILE_ROWS
    pltpu.sync_copy(zrows_hbm, acc_sh.at[pl.ds(base, TILE_ROWS)])
    pltpu.sync_copy(dst_hbm.at[wid], dst_v)
    pltpu.sync_copy(ones_hbm, ones_v)
    plsc.subcore_barrier()

    def body(j, carry):
        pltpu.sync_copy(ones_v, acc_sh.at[dst_v.at[j]], add=True)
        return carry

    lax.fori_loop(0, CHUNKS, body, 0)
    plsc.subcore_barrier()
    pltpu.sync_copy(acc_sh.at[pl.ds(base, TILE_ROWS)],
                    out_hbm.at[c, pl.ds(base, TILE_ROWS)])


@functools.partial(
    pl.kernel,
    out_type=jax.ShapeDtypeStruct((NC, NPAD, D), jnp.float32),
    mesh=_sc_mesh,
    scratch_types=[
        pltpu.VMEM((CHUNKS, EC), jnp.int32),
        pltpu.VMEM((CHUNKS, EC), jnp.int32),
        pltpu.VMEM((EC, D), jnp.float32),
        pltpu.VMEM_SHARED((NPAD, D), jnp.float32),
        pltpu.SemaphoreType.DMA,
    ],
)
def _edge_sc(y_hbm, src_hbm, dst_hbm, zrows_hbm, out_hbm,
             src_v, dst_v, rows_v, acc_sh, sem):
    c = lax.axis_index("c")
    s = lax.axis_index("s")
    wid = c * NS + s
    base = s * TILE_ROWS
    pltpu.sync_copy(zrows_hbm, acc_sh.at[pl.ds(base, TILE_ROWS)])
    pltpu.sync_copy(src_hbm.at[wid], src_v)
    pltpu.sync_copy(dst_hbm.at[wid], dst_v)
    plsc.subcore_barrier()

    def body(j, carry):
        pltpu.async_copy(y_hbm.at[src_v.at[j]], rows_v, sem).wait()
        pltpu.sync_copy(rows_v, acc_sh.at[dst_v.at[j]], add=True)
        return carry

    lax.fori_loop(0, CHUNKS, body, 0)
    plsc.subcore_barrier()
    pltpu.sync_copy(acc_sh.at[pl.ds(base, TILE_ROWS)],
                    out_hbm.at[c, pl.ds(base, TILE_ROWS)])



def _full(shape):
    return pl.BlockSpec(shape, lambda i: tuple(0 for _ in shape))


def _tc_first_body(deg_ref, x_ref, w_ref, y_ref, dis_ref):
    deg = deg_ref[...]
    d = deg[0, :, 0:1] + deg[1, :, 0:1] + 1.0
    dis = lax.rsqrt(d)
    dis_ref[...] = dis
    y_ref[...] = dis * jnp.dot(x_ref[...], w_ref[...],
                               preferred_element_type=jnp.float32)


def _tc_first(degp, xpad, W):
    return pl.pallas_call(
        _tc_first_body,
        grid=(NBLK,),
        in_specs=[
            pl.BlockSpec((NC, RBLK, D), lambda i: (0, i, 0)),
            pl.BlockSpec((RBLK, D), lambda i: (i, 0)),
            _full((D, D)),
        ],
        out_specs=[
            pl.BlockSpec((RBLK, D), lambda i: (i, 0)),
            pl.BlockSpec((RBLK, 1), lambda i: (i, 0)),
        ],
        out_shape=[
            jax.ShapeDtypeStruct((NPAD, D), jnp.float32),
            jax.ShapeDtypeStruct((NPAD, 1), jnp.float32),
        ],
    )(degp, xpad, W)


def _tc_mid_body(z_ref, y_ref, dis_ref, g_ref, b_ref, be_ref, w_ref, *rest):
    if len(rest) == 3:
        prev_ref, h_ref, y2_ref = rest
    else:
        prev_ref = None
        h_ref, y2_ref = rest
    z = z_ref[...]
    conv = dis_ref[...] * (z[0] + z[1] + y_ref[...]) + b_ref[...]
    h = jax.nn.relu(g_ref[...] * BN_SCALE * conv + be_ref[...])
    if prev_ref is not None:
        h = h + prev_ref[...]
    h_ref[...] = h
    y2_ref[...] = dis_ref[...] * jnp.dot(h, w_ref[...],
                                         preferred_element_type=jnp.float32)


def _tc_mid(zp, y, dis, g, b, be, Wnext, prev=None):
    ins = [zp, y, dis, g.reshape(1, D), b.reshape(1, D), be.reshape(1, D),
           Wnext]
    specs = [
        pl.BlockSpec((NC, RBLK, D), lambda i: (0, i, 0)),
        pl.BlockSpec((RBLK, D), lambda i: (i, 0)),
        pl.BlockSpec((RBLK, 1), lambda i: (i, 0)),
        _full((1, D)), _full((1, D)), _full((1, D)),
        _full((D, D)),
    ]
    if prev is not None:
        ins.append(prev)
        specs.append(pl.BlockSpec((RBLK, D), lambda i: (i, 0)))
    return pl.pallas_call(
        _tc_mid_body,
        grid=(NBLK,),
        in_specs=specs,
        out_specs=[
            pl.BlockSpec((RBLK, D), lambda i: (i, 0)),
            pl.BlockSpec((RBLK, D), lambda i: (i, 0)),
        ],
        out_shape=[
            jax.ShapeDtypeStruct((NPAD, D), jnp.float32),
            jax.ShapeDtypeStruct((NPAD, D), jnp.float32),
        ],
    )(*ins)


def _tc_final_body(z_ref, y_ref, dis_ref, g_ref, b_ref, be_ref, prev_ref,
                   batch_ref, o1_ref, ob1_ref, o2_ref, ob2_ref, o3_ref,
                   ob3_ref, out_ref, sums_sc, cnt_sc):
    i = pl.program_id(0)

    @pl.when(i == 0)
    def _():
        sums_sc[...] = jnp.zeros_like(sums_sc)
        cnt_sc[...] = jnp.zeros_like(cnt_sc)

    z = z_ref[...]
    conv = dis_ref[...] * (z[0] + z[1] + y_ref[...]) + b_ref[...]
    h = jax.nn.relu(g_ref[...] * BN_SCALE * conv + be_ref[...])
    h = h + prev_ref[...]

    ids = batch_ref[0, 0, :]
    gids = lax.broadcasted_iota(jnp.int32, (G, RBLK), 0)
    onehot = (ids[None, :] == gids).astype(jnp.float32)
    sums_sc[...] += jnp.dot(onehot, h, preferred_element_type=jnp.float32)
    cnt_sc[...] += jnp.sum(onehot, axis=1, keepdims=True)

    @pl.when(i == NBLK - 1)
    def _():
        hg = sums_sc[...] / jnp.maximum(cnt_sc[...], 1.0)
        o = jnp.tanh(jnp.dot(hg, o1_ref[...],
                             preferred_element_type=jnp.float32) + ob1_ref[...])
        o = jnp.tanh(jnp.dot(o, o2_ref[...],
                             preferred_element_type=jnp.float32) + ob2_ref[...])
        out_ref[...] = jnp.dot(o, o3_ref[...],
                               preferred_element_type=jnp.float32) + ob3_ref[...]


def _tc_final(zp, y, dis, g, b, be, prev, batchp,
              O1, ob1, O2, ob2, O3, ob3):
    return pl.pallas_call(
        _tc_final_body,
        grid=(NBLK,),
        in_specs=[
            pl.BlockSpec((NC, RBLK, D), lambda i: (0, i, 0)),
            pl.BlockSpec((RBLK, D), lambda i: (i, 0)),
            pl.BlockSpec((RBLK, 1), lambda i: (i, 0)),
            _full((1, D)), _full((1, D)), _full((1, D)),
            pl.BlockSpec((RBLK, D), lambda i: (i, 0)),
            pl.BlockSpec((1, 1, RBLK), lambda i: (i, 0, 0)),
            _full((D, D)), _full((1, D)),
            _full((D, D)), _full((1, D)),
            _full((D, 1)), _full((1, 1)),
        ],
        out_specs=pl.BlockSpec((G, 1), lambda i: (0, 0)),
        out_shape=jax.ShapeDtypeStruct((G, 1), jnp.float32),
        scratch_shapes=[
            pltpu.VMEM((G, D), jnp.float32),
            pltpu.VMEM((G, 1), jnp.float32),
        ],
    )(zp, y, dis, g.reshape(1, D), b.reshape(1, D), be.reshape(1, D), prev,
      batchp, O1, ob1.reshape(1, D), O2, ob2.reshape(1, D), O3,
      ob3.reshape(1, 1))



def kernel(x, edge_index, batch, W1, b1, W2, b2, W3, b3,
           g1, be1, g2, be2, g3, be3, O1, ob1, O2, ob2, O3, ob3):
    src = edge_index[0]
    dst = edge_index[1]
    pad_e = EPAD - E
    srcp = jnp.concatenate(
        [src, jnp.zeros((pad_e,), jnp.int32)]).reshape(NW, CHUNKS, EC)
    dstp = jnp.concatenate(
        [dst, jnp.full((pad_e,), NPAD - 1, jnp.int32)]).reshape(NW, CHUNKS, EC)
    xpad = jnp.concatenate([x, jnp.zeros((NPAD - N, D), jnp.float32)])
    batchp = jnp.concatenate(
        [batch, jnp.full((NPAD - N,), G, jnp.int32)]).reshape(NBLK, 1, RBLK)
    zrows = jnp.zeros((TILE_ROWS, D), jnp.float32)
    ones_rows = jnp.ones((EC, D), jnp.float32)

    degp = _deg_sc(dstp, zrows, ones_rows)
    y1, dis = _tc_first(degp, xpad, W1)
    z1 = _edge_sc(y1, srcp, dstp, zrows)
    h1, y2 = _tc_mid(z1, y1, dis, g1, b1, be1, W2)
    z2 = _edge_sc(y2, srcp, dstp, zrows)
    h2, y3 = _tc_mid(z2, y2, dis, g2, b2, be2, W3, prev=h1)
    z3 = _edge_sc(y3, srcp, dstp, zrows)
    out = _tc_final(z3, y3, dis, g3, b3, be3, h2, batchp,
                    O1, ob1, O2, ob2, O3, ob3)
    return out.reshape(G)

# --- scband reference (transcript-rebuilt; emitter-appended) ---
"""Pipeline reference for scband-gnn-4312147165497 (READ-ONLY COPY).

The authoritative reference and input builder live on the scoring server;
editing this copy changes nothing except your own understanding.
"""

import jax, jax.numpy as jnp
import numpy as np

N = 10000
E = 320000
D = 128
G = 64
EPS = 1e-5


def gcn_conv(x, src, dst, W, b):
    xw = x @ W
    loop = jnp.arange(N, dtype=src.dtype)
    s = jnp.concatenate([src, loop])
    d = jnp.concatenate([dst, loop])
    deg = jax.ops.segment_sum(jnp.ones(s.shape[0], dtype=xw.dtype), d, num_segments=N)
    dis = jnp.where(deg > 0, 1.0 / jnp.sqrt(deg), 0.0)
    norm = dis[s] * dis[d]
    msg = xw[s] * norm[:, None]
    out = jax.ops.segment_sum(msg, d, num_segments=N)
    return out + b


def bn_eval(h, gamma, beta):
    # BatchNorm1d in eval mode with running_mean=0, running_var=1
    return gamma * (h / jnp.sqrt(1.0 + EPS)) + beta


def setup_inputs(seed: int = 0) -> dict:
    key = jax.random.key(seed)
    ks = jax.random.split(key, 24)
    x = jax.random.normal(ks[0], (N, D), dtype=jnp.float32)
    edge_index = jax.random.randint(ks[1], (2, E), 0, N, dtype=jnp.int32)
    batch = jnp.sort(jax.random.randint(ks[2], (N,), 0, G, dtype=jnp.int32))
    def w(k, shp):
        return jax.random.normal(k, shp, dtype=jnp.float32) * 0.05
    inp = {
        "x": x, "edge_index": edge_index, "batch": batch,
        "W1": w(ks[3], (D, D)), "b1": jnp.zeros((D,), jnp.float32),
        "W2": w(ks[4], (D, D)), "b2": jnp.zeros((D,), jnp.float32),
        "W3": w(ks[5], (D, D)), "b3": jnp.zeros((D,), jnp.float32),
        "g1": jnp.ones((D,), jnp.float32), "be1": jnp.zeros((D,), jnp.float32),
        "g2": jnp.ones((D,), jnp.float32), "be2": jnp.zeros((D,), jnp.float32),
        "g3": jnp.ones((D,), jnp.float32), "be3": jnp.zeros((D,), jnp.float32),
        "O1": w(ks[6], (D, D)), "ob1": jnp.zeros((D,), jnp.float32),
        "O2": w(ks[7], (D, D)), "ob2": jnp.zeros((D,), jnp.float32),
        "O3": w(ks[8], (D, 1)), "ob3": jnp.zeros((1,), jnp.float32),
    }
    return inp


def reference(x, edge_index, batch, W1, b1, W2, b2, W3, b3, g1, be1, g2, be2, g3, be3, O1, ob1, O2, ob2, O3, ob3):
    src = edge_index[0]
    dst = edge_index[1]
    # layer 1 (no residual on first layer)
    h = gcn_conv(x, src, dst, W1, b1)
    h = jax.nn.relu(bn_eval(h, g1, be1))
    # layer 2 (residual)
    prev = h
    h = gcn_conv(h, src, dst, W2, b2)
    h = jax.nn.relu(bn_eval(h, g2, be2))
    h = h + prev
    # layer 3 (residual)
    prev = h
    h = gcn_conv(h, src, dst, W3, b3)
    h = jax.nn.relu(bn_eval(h, g3, be3))
    h = h + prev
    # global mean pool
    counts = jax.ops.segment_sum(jnp.ones((N,), jnp.float32), batch, num_segments=G)
    hsum = jax.ops.segment_sum(h, batch, num_segments=G)
    hg = hsum / jnp.clip(counts, 1.0)[:, None]
    # output MLP (dropout is identity in eval)
    o = jnp.tanh(hg @ O1 + ob1)
    o = jnp.tanh(o @ O2 + ob2)
    o = o @ O3 + ob3
    return jnp.squeeze(o, axis=-1)

if __name__ == "__main__":
    import jax
    _d = setup_inputs()
    print(jax.jit(kernel)(*tuple(_d.values())))

</pallas_src>

<mosaic_0001>
#map = affine_map<(d0, d1) -> (0, 0)>
#map1 = affine_map<(d0, d1) -> (0, 0, 0)>
module attributes {stable_mosaic.version = 14 : i64} {
  func.func @_edge_sc(%arg0: i32, %arg1: i32, %arg2: memref<10240x128xf32, #tpu.memory_space<hbm>>, %arg3: memref<32x79x128xi32, #tpu.memory_space<hbm>>, %arg4: memref<32x79x128xi32, #tpu.memory_space<hbm>>, %arg5: memref<640x128xf32, #tpu.memory_space<hbm>>, %arg6: memref<2x10240x128xf32, #tpu.memory_space<hbm>>, %arg7: memref<79x128xi32, #tpu.memory_space<vmem>>, %arg8: memref<79x128xi32, #tpu.memory_space<vmem>>, %arg9: memref<128x128xf32, #tpu.memory_space<vmem>>, %arg10: memref<10240x128xf32, #tpu.memory_space<vmem_shared>>, %arg11: memref<!tpu.dma_semaphore, #tpu.memory_space<semaphore_mem>>) attributes {dimension_semantics = [#tpu.dimension_semantics<core_parallel>, #tpu.dimension_semantics<subcore_parallel>], iteration_bounds = array<i64: 2, 16>, scalar_prefetch = 0 : i64, scratch_operands = 5 : i64, tpu.core_type = #tpu.core_type<sc_vector_subcore>, window_params = [{transform_indices = #map}, {transform_indices = #map1}, {transform_indices = #map1}, {transform_indices = #map}, {transform_indices = #map1}]} {
    %mul3A = arith.constant 16 : i32
    %mul3A_0 = arith.muli %arg0, %mul3A : i32
    %add3A = arith.addi %mul3A_0, %arg1 : i32
    %mul3A_1 = arith.constant 640 : i32
    %mul3A_2 = arith.muli %arg1, %mul3A_1 : i32
    "tpu.region"() ({
      %run_scoped3A = tpu.sem_alloc : memref<!tpu.dma_semaphore, #tpu.memory_space<semaphore_mem>>
      %dma_start3A = arith.constant 0 : i32
      %dma_start3A_9 = tpu.memref_slice %arg10[%mul3A_2, %dma_start3A] : memref<10240x128xf32, #tpu.memory_space<vmem_shared>> -> memref<640x128xf32, #tpu.memory_space<vmem_shared>>
      tpu.enqueue_dma source(%arg5 : memref<640x128xf32, #tpu.memory_space<hbm>>) target(%dma_start3A_9 : memref<640x128xf32, #tpu.memory_space<vmem_shared>>) target_semaphore(%run_scoped3A : memref<!tpu.dma_semaphore, #tpu.memory_space<semaphore_mem>>)
      %dma_wait3A = arith.constant 0 : i32
      %dma_wait3A_10 = tpu.memref_slice %arg10[%mul3A_2, %dma_wait3A] : memref<10240x128xf32, #tpu.memory_space<vmem_shared>> -> memref<640x128xf32, #tpu.memory_space<vmem_shared>>
      tpu.wait_dma2 semaphore(%run_scoped3A : memref<!tpu.dma_semaphore, #tpu.memory_space<semaphore_mem>>) src(%arg5 : memref<640x128xf32, #tpu.memory_space<hbm>>) dst(%dma_wait3A_10 : memref<640x128xf32, #tpu.memory_space<vmem_shared>>)
      tpu.yield
    }) : () -> ()
    "tpu.region"() ({
      %run_scoped3A = tpu.sem_alloc : memref<!tpu.dma_semaphore, #tpu.memory_space<semaphore_mem>>
      %dma_start3A = arith.constant 0 : i32
      %dma_start3A_9 = arith.constant 0 : i32
      %dma_start3A_10 = tpu.memref_slice %arg3[%add3A, %dma_start3A, %dma_start3A_9] : memref<32x79x128xi32, #tpu.memory_space<hbm>> -> memref<1x79x128xi32, #tpu.memory_space<hbm>>
      %dma_start3A_11 = tpu.memref_squeeze %dma_start3A_10 : memref<1x79x128xi32, #tpu.memory_space<hbm>> -> memref<79x128xi32, #tpu.memory_space<hbm>>
      %dma_start3A_12 = arith.constant 0 : i32
      %dma_start3A_13 = arith.constant 0 : i32
      %dma_start3A_14 = tpu.memref_slice %arg3[%add3A, %dma_start3A_12, %dma_start3A_13] : memref<32x79x128xi32, #tpu.memory_space<hbm>> -> memref<1x79x128xi32, #tpu.memory_space<hbm>>
      %dma_start3A_15 = tpu.memref_squeeze %dma_start3A_14 : memref<1x79x128xi32, #tpu.memory_space<hbm>> -> memref<79x128xi32, #tpu.memory_space<hbm>>
      tpu.enqueue_dma source(%dma_start3A_15 : memref<79x128xi32, #tpu.memory_space<hbm>>) target(%arg7 : memref<79x128xi32, #tpu.memory_space<vmem>>) target_semaphore(%run_scoped3A : memref<!tpu.dma_semaphore, #tpu.memory_space<semaphore_mem>>)
      %dma_wait3A = arith.constant 0 : i32
      %dma_wait3A_16 = arith.constant 0 : i32
      %dma_wait3A_17 = tpu.memref_slice %arg3[%add3A, %dma_wait3A, %dma_wait3A_16] : memref<32x79x128xi32, #tpu.memory_space<hbm>> -> memref<1x79x128xi32, #tpu.memory_space<hbm>>
      %dma_wait3A_18 = tpu.memref_squeeze %dma_wait3A_17 : memref<1x79x128xi32, #tpu.memory_space<hbm>> -> memref<79x128xi32, #tpu.memory_space<hbm>>
      %dma_wait3A_19 = arith.constant 0 : i32
      %dma_wait3A_20 = arith.constant 0 : i32
      %dma_wait3A_21 = tpu.memref_slice %arg3[%add3A, %dma_wait3A_19, %dma_wait3A_20] : memref<32x79x128xi32, #tpu.memory_space<hbm>> -> memref<1x79x128xi32, #tpu.memory_space<hbm>>
      %dma_wait3A_22 = tpu.memref_squeeze %dma_wait3A_21 : memref<1x79x128xi32, #tpu.memory_space<hbm>> -> memref<79x128xi32, #tpu.memory_space<hbm>>
      tpu.wait_dma2 semaphore(%run_scoped3A : memref<!tpu.dma_semaphore, #tpu.memory_space<semaphore_mem>>) src(%dma_wait3A_22 : memref<79x128xi32, #tpu.memory_space<hbm>>) dst(%arg7 : memref<79x128xi32, #tpu.memory_space<vmem>>)
      tpu.yield
    }) : () -> ()
    "tpu.region"() ({
      %run_scoped3A = tpu.sem_alloc : memref<!tpu.dma_semaphore, #tpu.memory_space<semaphore_mem>>
      %dma_start3A = arith.constant 0 : i32
      %dma_start3A_9 = arith.constant 0 : i32
      %dma_start3A_10 = tpu.memref_slice %arg4[%add3A, %dma_start3A, %dma_start3A_9] : memref<32x79x128xi32, #tpu.memory_space<hbm>> -> memref<1x79x128xi32, #tpu.memory_space<hbm>>
      %dma_start3A_11 = tpu.memref_squeeze %dma_start3A_10 : memref<1x79x128xi32, #tpu.memory_space<hbm>> -> memref<79x128xi32, #tpu.memory_space<hbm>>
      %dma_start3A_12 = arith.constant 0 : i32
      %dma_start3A_13 = arith.constant 0 : i32
      %dma_start3A_14 = tpu.memref_slice %arg4[%add3A, %dma_start3A_12, %dma_start3A_13] : memref<32x79x128xi32, #tpu.memory_space<hbm>> -> memref<1x79x128xi32, #tpu.memory_space<hbm>>
      %dma_start3A_15 = tpu.memref_squeeze %dma_start3A_14 : memref<1x79x128xi32, #tpu.memory_space<hbm>> -> memref<79x128xi32, #tpu.memory_space<hbm>>
      tpu.enqueue_dma source(%dma_start3A_15 : memref<79x128xi32, #tpu.memory_space<hbm>>) target(%arg8 : memref<79x128xi32, #tpu.memory_space<vmem>>) target_semaphore(%run_scoped3A : memref<!tpu.dma_semaphore, #tpu.memory_space<semaphore_mem>>)
      %dma_wait3A = arith.constant 0 : i32
      %dma_wait3A_16 = arith.constant 0 : i32
      %dma_wait3A_17 = tpu.memref_slice %arg4[%add3A, %dma_wait3A, %dma_wait3A_16] : memref<32x79x128xi32, #tpu.memory_space<hbm>> -> memref<1x79x128xi32, #tpu.memory_space<hbm>>
      %dma_wait3A_18 = tpu.memref_squeeze %dma_wait3A_17 : memref<1x79x128xi32, #tpu.memory_space<hbm>> -> memref<79x128xi32, #tpu.memory_space<hbm>>
      %dma_wait3A_19 = arith.constant 0 : i32
      %dma_wait3A_20 = arith.constant 0 : i32
      %dma_wait3A_21 = tpu.memref_slice %arg4[%add3A, %dma_wait3A_19, %dma_wait3A_20] : memref<32x79x128xi32, #tpu.memory_space<hbm>> -> memref<1x79x128xi32, #tpu.memory_space<hbm>>
      %dma_wait3A_22 = tpu.memref_squeeze %dma_wait3A_21 : memref<1x79x128xi32, #tpu.memory_space<hbm>> -> memref<79x128xi32, #tpu.memory_space<hbm>>
      tpu.wait_dma2 semaphore(%run_scoped3A : memref<!tpu.dma_semaphore, #tpu.memory_space<semaphore_mem>>) src(%dma_wait3A_22 : memref<79x128xi32, #tpu.memory_space<hbm>>) dst(%arg8 : memref<79x128xi32, #tpu.memory_space<vmem>>)
      tpu.yield
    }) : () -> ()
    %barrier3A = arith.constant 0 : index
    tpu.barrier barrier_id(%barrier3A)
    %scan3A = arith.constant 0 : i32
    %scan3A_3 = arith.constant 0 : i32
    %scan3A_4 = arith.constant 79 : i32
    %scan3A_5 = arith.addi %scan3A_3, %scan3A_4 : i32
    %scan3A_6 = arith.constant 1 : i32
    scf.for %scan3A_9 = %scan3A_3 to %scan3A_5 step %scan3A_6  : i32 {
      %dma_start3A = arith.constant 0 : i32
      %dma_start3A_10 = tpu.memref_slice %arg7[%scan3A_9, %dma_start3A] : memref<79x128xi32, #tpu.memory_space<vmem>> -> memref<1x128xi32, #tpu.memory_space<vmem>>
      %dma_start3A_11 = tpu.memref_squeeze %dma_start3A_10 : memref<1x128xi32, #tpu.memory_space<vmem>> -> memref<128xi32, #tpu.memory_space<vmem>>
      %dma_start3A_12 = arith.constant 0 : i32
      %dma_start3A_13 = arith.constant 0 : i32
      %dma_start3A_14 = tpu.memref_slice %arg2[%dma_start3A_12, %dma_start3A_13] : memref<10240x128xf32, #tpu.memory_space<hbm>> -> memref<10240x128xf32, #tpu.memory_space<hbm>>
      tpu.enqueue_indirect_dma source(%dma_start3A_14 : memref<10240x128xf32, #tpu.memory_space<hbm>>) target(%arg9 : memref<128x128xf32, #tpu.memory_space<vmem>>) offsets(%dma_start3A_11 : memref<128xi32, #tpu.memory_space<vmem>>) semaphore(%arg11 : memref<!tpu.dma_semaphore, #tpu.memory_space<semaphore_mem>>)
      %dma_wait3A = arith.constant 0 : i32
      %dma_wait3A_15 = tpu.memref_slice %arg7[%scan3A_9, %dma_wait3A] : memref<79x128xi32, #tpu.memory_space<vmem>> -> memref<1x128xi32, #tpu.memory_space<vmem>>
      %dma_wait3A_16 = tpu.memref_squeeze %dma_wait3A_15 : memref<1x128xi32, #tpu.memory_space<vmem>> -> memref<128xi32, #tpu.memory_space<vmem>>
      %dma_wait3A_17 = arith.constant 0 : i32
      %dma_wait3A_18 = arith.constant 0 : i32
      %dma_wait3A_19 = tpu.memref_slice %arg2[%dma_wait3A_17, %dma_wait3A_18] : memref<10240x128xf32, #tpu.memory_space<hbm>> -> memref<10240x128xf32, #tpu.memory_space<hbm>>
      tpu.wait_indirect_dma semaphore(%arg11 : memref<!tpu.dma_semaphore, #tpu.memory_space<semaphore_mem>>) src(%dma_wait3A_19 : memref<10240x128xf32, #tpu.memory_space<hbm>>) dst(%arg9 : memref<128x128xf32, #tpu.memory_space<vmem>>)
      "tpu.region"() ({
        %run_scoped3A = tpu.sem_alloc : memref<!tpu.dma_semaphore, #tpu.memory_space<semaphore_mem>>
        %dma_start3A_20 = arith.constant 0 : i32
        %dma_start3A_21 = tpu.memref_slice %arg8[%scan3A_9, %dma_start3A_20] : memref<79x128xi32, #tpu.memory_space<vmem>> -> memref<1x128xi32, #tpu.memory_space<vmem>>
        %dma_start3A_22 = tpu.memref_squeeze %dma_start3A_21 : memref<1x128xi32, #tpu.memory_space<vmem>> -> memref<128xi32, #tpu.memory_space<vmem>>
        %dma_start3A_23 = arith.constant 0 : i32
        %dma_start3A_24 = arith.constant 0 : i32
        %dma_start3A_25 = tpu.memref_slice %arg10[%dma_start3A_23, %dma_start3A_24] : memref<10240x128xf32, #tpu.memory_space<vmem_shared>> -> memref<10240x128xf32, #tpu.memory_space<vmem_shared>>
        tpu.enqueue_indirect_dma source(%arg9 : memref<128x128xf32, #tpu.memory_space<vmem>>) target(%dma_start3A_25 : memref<10240x128xf32, #tpu.memory_space<vmem_shared>>) offsets(%dma_start3A_22 : memref<128xi32, #tpu.memory_space<vmem>>) semaphore(%run_scoped3A : memref<!tpu.dma_semaphore, #tpu.memory_space<semaphore_mem>>) {add = true}
        %dma_wait3A_26 = arith.constant 0 : i32
        %dma_wait3A_27 = tpu.memref_slice %arg8[%scan3A_9, %dma_wait3A_26] : memref<79x128xi32, #tpu.memory_space<vmem>> -> memref<1x128xi32, #tpu.memory_space<vmem>>
        %dma_wait3A_28 = tpu.memref_squeeze %dma_wait3A_27 : memref<1x128xi32, #tpu.memory_space<vmem>> -> memref<128xi32, #tpu.memory_space<vmem>>
        %dma_wait3A_29 = arith.constant 0 : i32
        %dma_wait3A_30 = arith.constant 0 : i32
        %dma_wait3A_31 = tpu.memref_slice %arg10[%dma_wait3A_29, %dma_wait3A_30] : memref<10240x128xf32, #tpu.memory_space<vmem_shared>> -> memref<10240x128xf32, #tpu.memory_space<vmem_shared>>
        tpu.wait_indirect_dma semaphore(%run_scoped3A : memref<!tpu.dma_semaphore, #tpu.memory_space<semaphore_mem>>) src(%arg9 : memref<128x128xf32, #tpu.memory_space<vmem>>) dst(%dma_wait3A_31 : memref<10240x128xf32, #tpu.memory_space<vmem_shared>>)
        tpu.yield
      }) : () -> ()
    }
    %scan3A_7 = arith.constant 79 : i32
    %barrier3A_8 = arith.constant 0 : index
    tpu.barrier barrier_id(%barrier3A_8)
    "tpu.region"() ({
      %run_scoped3A = tpu.sem_alloc : memref<!tpu.dma_semaphore, #tpu.memory_space<semaphore_mem>>
      %dma_start3A = arith.constant 0 : i32
      %dma_start3A_9 = tpu.memref_slice %arg6[%arg0, %mul3A_2, %dma_start3A] : memref<2x10240x128xf32, #tpu.memory_space<hbm>> -> memref<1x640x128xf32, #tpu.memory_space<hbm>>
      %dma_start3A_10 = tpu.memref_squeeze %dma_start3A_9 : memref<1x640x128xf32, #tpu.memory_space<hbm>> -> memref<640x128xf32, #tpu.memory_space<hbm>>
      %dma_start3A_11 = arith.constant 0 : i32
      %dma_start3A_12 = tpu.memref_slice %arg10[%mul3A_2, %dma_start3A_11] : memref<10240x128xf32, #tpu.memory_space<vmem_shared>> -> memref<640x128xf32, #tpu.memory_space<vmem_shared>>
      tpu.enqueue_dma source(%dma_start3A_12 : memref<640x128xf32, #tpu.memory_space<vmem_shared>>) target(%dma_start3A_10 : memref<640x128xf32, #tpu.memory_space<hbm>>) target_semaphore(%run_scoped3A : memref<!tpu.dma_semaphore, #tpu.memory_space<semaphore_mem>>)
      %dma_wait3A = arith.constant 0 : i32
      %dma_wait3A_13 = tpu.memref_slice %arg6[%arg0, %mul3A_2, %dma_wait3A] : memref<2x10240x128xf32, #tpu.memory_space<hbm>> -> memref<1x640x128xf32, #tpu.memory_space<hbm>>
      %dma_wait3A_14 = tpu.memref_squeeze %dma_wait3A_13 : memref<1x640x128xf32, #tpu.memory_space<hbm>> -> memref<640x128xf32, #tpu.memory_space<hbm>>
      %dma_wait3A_15 = arith.constant 0 : i32
      %dma_wait3A_16 = tpu.memref_slice %arg10[%mul3A_2, %dma_wait3A_15] : memref<10240x128xf32, #tpu.memory_space<vmem_shared>> -> memref<640x128xf32, #tpu.memory_space<vmem_shared>>
      tpu.wait_dma2 semaphore(%run_scoped3A : memref<!tpu.dma_semaphore, #tpu.memory_space<semaphore_mem>>) src(%dma_wait3A_16 : memref<640x128xf32, #tpu.memory_space<vmem_shared>>) dst(%dma_wait3A_14 : memref<640x128xf32, #tpu.memory_space<hbm>>)
      tpu.yield
    }) : () -> ()
    return
  }
}

#map = affine_map<(d0, d1) -> (0, 0)>
#map1 = affine_map<(d0, d1) -> (0, 0, 0)>
module attributes {stable_mosaic.version = 14 : i64} {
  func.func @_edge_sc(%arg0: i32, %arg1: i32, %arg2: memref<10240x128xf32, #tpu.memory_space<hbm>>, %arg3: memref<32x79x128xi32, #tpu.memory_space<hbm>>, %arg4: memref<32x79x128xi32, #tpu.memory_space<hbm>>, %arg5: memref<640x128xf32, #tpu.memory_space<hbm>>, %arg6: memref<2x10240x128xf32, #tpu.memory_space<hbm>>, %arg7: memref<79x128xi32, #tpu.memory_space<vmem>>, %arg8: memref<79x128xi32, #tpu.memory_space<vmem>>, %arg9: memref<128x128xf32, #tpu.memory_space<vmem>>, %arg10: memref<10240x128xf32, #tpu.memory_space<vmem_shared>>, %arg11: memref<!tpu.dma_semaphore, #tpu.memory_space<semaphore_mem>>) attributes {dimension_semantics = [#tpu.dimension_semantics<core_parallel>, #tpu.dimension_semantics<subcore_parallel>], iteration_bounds = array<i64: 2, 16>, scalar_prefetch = 0 : i64, scratch_operands = 5 : i64, tpu.core_type = #tpu.core_type<sc_vector_subcore>, window_params = [{transform_indices = #map}, {transform_indices = #map1}, {transform_indices = #map1}, {transform_indices = #map}, {transform_indices = #map1}]} {
    %mul3A = arith.constant 16 : i32
    %mul3A_0 = arith.muli %arg0, %mul3A : i32
    %add3A = arith.addi %mul3A_0, %arg1 : i32
    %mul3A_1 = arith.constant 640 : i32
    %mul3A_2 = arith.muli %arg1, %mul3A_1 : i32
    "tpu.region"() ({
      %run_scoped3A = tpu.sem_alloc : memref<!tpu.dma_semaphore, #tpu.memory_space<semaphore_mem>>
      %dma_start3A = arith.constant 0 : i32
      %dma_start3A_9 = tpu.memref_slice %arg10[%mul3A_2, %dma_start3A] : memref<10240x128xf32, #tpu.memory_space<vmem_shared>> -> memref<640x128xf32, #tpu.memory_space<vmem_shared>>
      tpu.enqueue_dma source(%arg5 : memref<640x128xf32, #tpu.memory_space<hbm>>) target(%dma_start3A_9 : memref<640x128xf32, #tpu.memory_space<vmem_shared>>) target_semaphore(%run_scoped3A : memref<!tpu.dma_semaphore, #tpu.memory_space<semaphore_mem>>)
      %dma_wait3A = arith.constant 0 : i32
      %dma_wait3A_10 = tpu.memref_slice %arg10[%mul3A_2, %dma_wait3A] : memref<10240x128xf32, #tpu.memory_space<vmem_shared>> -> memref<640x128xf32, #tpu.memory_space<vmem_shared>>
      tpu.wait_dma2 semaphore(%run_scoped3A : memref<!tpu.dma_semaphore, #tpu.memory_space<semaphore_mem>>) src(%arg5 : memref<640x128xf32, #tpu.memory_space<hbm>>) dst(%dma_wait3A_10 : memref<640x128xf32, #tpu.memory_space<vmem_shared>>)
      tpu.yield
    }) : () -> ()
    "tpu.region"() ({
      %run_scoped3A = tpu.sem_alloc : memref<!tpu.dma_semaphore, #tpu.memory_space<semaphore_mem>>
      %dma_start3A = arith.constant 0 : i32
      %dma_start3A_9 = arith.constant 0 : i32
      %dma_start3A_10 = tpu.memref_slice %arg3[%add3A, %dma_start3A, %dma_start3A_9] : memref<32x79x128xi32, #tpu.memory_space<hbm>> -> memref<1x79x128xi32, #tpu.memory_space<hbm>>
      %dma_start3A_11 = tpu.memref_squeeze %dma_start3A_10 : memref<1x79x128xi32, #tpu.memory_space<hbm>> -> memref<79x128xi32, #tpu.memory_space<hbm>>
      %dma_start3A_12 = arith.constant 0 : i32
      %dma_start3A_13 = arith.constant 0 : i32
      %dma_start3A_14 = tpu.memref_slice %arg3[%add3A, %dma_start3A_12, %dma_start3A_13] : memref<32x79x128xi32, #tpu.memory_space<hbm>> -> memref<1x79x128xi32, #tpu.memory_space<hbm>>
      %dma_start3A_15 = tpu.memref_squeeze %dma_start3A_14 : memref<1x79x128xi32, #tpu.memory_space<hbm>> -> memref<79x128xi32, #tpu.memory_space<hbm>>
      tpu.enqueue_dma source(%dma_start3A_15 : memref<79x128xi32, #tpu.memory_space<hbm>>) target(%arg7 : memref<79x128xi32, #tpu.memory_space<vmem>>) target_semaphore(%run_scoped3A : memref<!tpu.dma_semaphore, #tpu.memory_space<semaphore_mem>>)
      %dma_wait3A = arith.constant 0 : i32
      %dma_wait3A_16 = arith.constant 0 : i32
      %dma_wait3A_17 = tpu.memref_slice %arg3[%add3A, %dma_wait3A, %dma_wait3A_16] : memref<32x79x128xi32, #tpu.memory_space<hbm>> -> memref<1x79x128xi32, #tpu.memory_space<hbm>>
      %dma_wait3A_18 = tpu.memref_squeeze %dma_wait3A_17 : memref<1x79x128xi32, #tpu.memory_space<hbm>> -> memref<79x128xi32, #tpu.memory_space<hbm>>
      %dma_wait3A_19 = arith.constant 0 : i32
      %dma_wait3A_20 = arith.constant 0 : i32
      %dma_wait3A_21 = tpu.memref_slice %arg3[%add3A, %dma_wait3A_19, %dma_wait3A_20] : memref<32x79x128xi32, #tpu.memory_space<hbm>> -> memref<1x79x128xi32, #tpu.memory_space<hbm>>
      %dma_wait3A_22 = tpu.memref_squeeze %dma_wait3A_21 : memref<1x79x128xi32, #tpu.memory_space<hbm>> -> memref<79x128xi32, #tpu.memory_space<hbm>>
      tpu.wait_dma2 semaphore(%run_scoped3A : memref<!tpu.dma_semaphore, #tpu.memory_space<semaphore_mem>>) src(%dma_wait3A_22 : memref<79x128xi32, #tpu.memory_space<hbm>>) dst(%arg7 : memref<79x128xi32, #tpu.memory_space<vmem>>)
      tpu.yield
    }) : () -> ()
    "tpu.region"() ({
      %run_scoped3A = tpu.sem_alloc : memref<!tpu.dma_semaphore, #tpu.memory_space<semaphore_mem>>
      %dma_start3A = arith.constant 0 : i32
      %dma_start3A_9 = arith.constant 0 : i32
      %dma_start3A_10 = tpu.memref_slice %arg4[%add3A, %dma_start3A, %dma_start3A_9] : memref<32x79x128xi32, #tpu.memory_space<hbm>> -> memref<1x79x128xi32, #tpu.memory_space<hbm>>
      %dma_start3A_11 = tpu.memref_squeeze %dma_start3A_10 : memref<1x79x128xi32, #tpu.memory_space<hbm>> -> memref<79x128xi32, #tpu.memory_space<hbm>>
      %dma_start3A_12 = arith.constant 0 : i32
      %dma_start3A_13 = arith.constant 0 : i32
      %dma_start3A_14 = tpu.memref_slice %arg4[%add3A, %dma_start3A_12, %dma_start3A_13] : memref<32x79x128xi32, #tpu.memory_space<hbm>> -> memref<1x79x128xi32, #tpu.memory_space<hbm>>
      %dma_start3A_15 = tpu.memref_squeeze %dma_start3A_14 : memref<1x79x128xi32, #tpu.memory_space<hbm>> -> memref<79x128xi32, #tpu.memory_space<hbm>>
      tpu.enqueue_dma source(%dma_start3A_15 : memref<79x128xi32, #tpu.memory_space<hbm>>) target(%arg8 : memref<79x128xi32, #tpu.memory_space<vmem>>) target_semaphore(%run_scoped3A : memref<!tpu.dma_semaphore, #tpu.memory_space<semaphore_mem>>)
      %dma_wait3A = arith.constant 0 : i32
      %dma_wait3A_16 = arith.constant 0 : i32
      %dma_wait3A_17 = tpu.memref_slice %arg4[%add3A, %dma_wait3A, %dma_wait3A_16] : memref<32x79x128xi32, #tpu.memory_space<hbm>> -> memref<1x79x128xi32, #tpu.memory_space<hbm>>
      %dma_wait3A_18 = tpu.memref_squeeze %dma_wait3A_17 : memref<1x79x128xi32, #tpu.memory_space<hbm>> -> memref<79x128xi32, #tpu.memory_space<hbm>>
      %dma_wait3A_19 = arith.constant 0 : i32
      %dma_wait3A_20 = arith.constant 0 : i32
      %dma_wait3A_21 = tpu.memref_slice %arg4[%add3A, %dma_wait3A_19, %dma_wait3A_20] : memref<32x79x128xi32, #tpu.memory_space<hbm>> -> memref<1x79x128xi32, #tpu.memory_space<hbm>>
      %dma_wait3A_22 = tpu.memref_squeeze %dma_wait3A_21 : memref<1x79x128xi32, #tpu.memory_space<hbm>> -> memref<79x128xi32, #tpu.memory_space<hbm>>
      tpu.wait_dma2 semaphore(%run_scoped3A : memref<!tpu.dma_semaphore, #tpu.memory_space<semaphore_mem>>) src(%dma_wait3A_22 : memref<79x128xi32, #tpu.memory_space<hbm>>) dst(%arg8 : memref<79x128xi32, #tpu.memory_space<vmem>>)
      tpu.yield
    }) : () -> ()
    %barrier3A = arith.constant 0 : index
    tpu.barrier barrier_id(%barrier3A)
    %scan3A = arith.constant 0 : i32
    %scan3A_3 = arith.constant 0 : i32
    %scan3A_4 = arith.constant 79 : i32
    %scan3A_5 = arith.addi %scan3A_3, %scan3A_4 : i32
    %scan3A_6 = arith.constant 1 : i32
    scf.for %scan3A_9 = %scan3A_3 to %scan3A_5 step %scan3A_6  : i32 {
      %dma_start3A = arith.constant 0 : i32
      %dma_start3A_10 = tpu.memref_slice %arg7[%scan3A_9, %dma_start3A] : memref<79x128xi32, #tpu.memory_space<vmem>> -> memref<1x128xi32, #tpu.memory_space<vmem>>
      %dma_start3A_11 = tpu.memref_squeeze %dma_start3A_10 : memref<1x128xi32, #tpu.memory_space<vmem>> -> memref<128xi32, #tpu.memory_space<vmem>>
      %dma_start3A_12 = arith.constant 0 : i32
      %dma_start3A_13 = arith.constant 0 : i32
      %dma_start3A_14 = tpu.memref_slice %arg2[%dma_start3A_12, %dma_start3A_13] : memref<10240x128xf32, #tpu.memory_space<hbm>> -> memref<10240x128xf32, #tpu.memory_space<hbm>>
      tpu.enqueue_indirect_dma source(%dma_start3A_14 : memref<10240x128xf32, #tpu.memory_space<hbm>>) target(%arg9 : memref<128x128xf32, #tpu.memory_space<vmem>>) offsets(%dma_start3A_11 : memref<128xi32, #tpu.memory_space<vmem>>) semaphore(%arg11 : memref<!tpu.dma_semaphore, #tpu.memory_space<semaphore_mem>>)
      %dma_wait3A = arith.constant 0 : i32
      %dma_wait3A_15 = tpu.memref_slice %arg7[%scan3A_9, %dma_wait3A] : memref<79x128xi32, #tpu.memory_space<vmem>> -> memref<1x128xi32, #tpu.memory_space<vmem>>
      %dma_wait3A_16 = tpu.memref_squeeze %dma_wait3A_15 : memref<1x128xi32, #tpu.memory_space<vmem>> -> memref<128xi32, #tpu.memory_space<vmem>>
      %dma_wait3A_17 = arith.constant 0 : i32
      %dma_wait3A_18 = arith.constant 0 : i32
      %dma_wait3A_19 = tpu.memref_slice %arg2[%dma_wait3A_17, %dma_wait3A_18] : memref<10240x128xf32, #tpu.memory_space<hbm>> -> memref<10240x128xf32, #tpu.memory_space<hbm>>
      tpu.wait_indirect_dma semaphore(%arg11 : memref<!tpu.dma_semaphore, #tpu.memory_space<semaphore_mem>>) src(%dma_wait3A_19 : memref<10240x128xf32, #tpu.memory_space<hbm>>) dst(%arg9 : memref<128x128xf32, #tpu.memory_space<vmem>>)
      "tpu.region"() ({
        %run_scoped3A = tpu.sem_alloc : memref<!tpu.dma_semaphore, #tpu.memory_space<semaphore_mem>>
        %dma_start3A_20 = arith.constant 0 : i32
        %dma_start3A_21 = tpu.memref_slice %arg8[%scan3A_9, %dma_start3A_20] : memref<79x128xi32, #tpu.memory_space<vmem>> -> memref<1x128xi32, #tpu.memory_space<vmem>>
        %dma_start3A_22 = tpu.memref_squeeze %dma_start3A_21 : memref<1x128xi32, #tpu.memory_space<vmem>> -> memref<128xi32, #tpu.memory_space<vmem>>
        %dma_start3A_23 = arith.constant 0 : i32
        %dma_start3A_24 = arith.constant 0 : i32
        %dma_start3A_25 = tpu.memref_slice %arg10[%dma_start3A_23, %dma_start3A_24] : memref<10240x128xf32, #tpu.memory_space<vmem_shared>> -> memref<10240x128xf32, #tpu.memory_space<vmem_shared>>
        tpu.enqueue_indirect_dma source(%arg9 : memref<128x128xf32, #tpu.memory_space<vmem>>) target(%dma_start3A_25 : memref<10240x128xf32, #tpu.memory_space<vmem_shared>>) offsets(%dma_start3A_22 : memref<128xi32, #tpu.memory_space<vmem>>) semaphore(%run_scoped3A : memref<!tpu.dma_semaphore, #tpu.memory_space<semaphore_mem>>) {add = true}
        %dma_wait3A_26 = arith.constant 0 : i32
        %dma_wait3A_27 = tpu.memref_slice %arg8[%scan3A_9, %dma_wait3A_26] : memref<79x128xi32, #tpu.memory_space<vmem>> -> memref<1x128xi32, #tpu.memory_space<vmem>>
        %dma_wait3A_28 = tpu.memref_squeeze %dma_wait3A_27 : memref<1x128xi32, #tpu.memory_space<vmem>> -> memref<128xi32, #tpu.memory_space<vmem>>
        %dma_wait3A_29 = arith.constant 0 : i32
        %dma_wait3A_30 = arith.constant 0 : i32
        %dma_wait3A_31 = tpu.memref_slice %arg10[%dma_wait3A_29, %dma_wait3A_30] : memref<10240x128xf32, #tpu.memory_space<vmem_shared>> -> memref<10240x128xf32, #tpu.memory_space<vmem_shared>>
        tpu.wait_indirect_dma semaphore(%run_scoped3A : memref<!tpu.dma_semaphore, #tpu.memory_space<semaphore_mem>>) src(%arg9 : memref<128x128xf32, #tpu.memory_space<vmem>>) dst(%dma_wait3A_31 : memref<10240x128xf32, #tpu.memory_space<vmem_shared>>)
        tpu.yield
      }) : () -> ()
    }
    %scan3A_7 = arith.constant 79 : i32
    %barrier3A_8 = arith.constant 0 : index
    tpu.barrier barrier_id(%barrier3A_8)
    "tpu.region"() ({
      %run_scoped3A = tpu.sem_alloc : memref<!tpu.dma_semaphore, #tpu.memory_space<semaphore_mem>>
      %dma_start3A = arith.constant 0 : i32
      %dma_start3A_9 = tpu.memref_slice %arg6[%arg0, %mul3A_2, %dma_start3A] : memref<2x10240x128xf32, #tpu.memory_space<hbm>> -> memref<1x640x128xf32, #tpu.memory_space<hbm>>
      %dma_start3A_10 = tpu.memref_squeeze %dma_start3A_9 : memref<1x640x128xf32, #tpu.memory_space<hbm>> -> memref<640x128xf32, #tpu.memory_space<hbm>>
      %dma_start3A_11 = arith.constant 0 : i32
      %dma_start3A_12 = tpu.memref_slice %arg10[%mul3A_2, %dma_start3A_11] : memref<10240x128xf32, #tpu.memory_space<vmem_shared>> -> memref<640x128xf32, #tpu.memory_space<vmem_shared>>
      tpu.enqueue_dma source(%dma_start3A_12 : memref<640x128xf32, #tpu.memory_space<vmem_shared>>) target(%dma_start3A_10 : memref<640x128xf32, #tpu.memory_space<hbm>>) target_semaphore(%run_scoped3A : memref<!tpu.dma_semaphore, #tpu.memory_space<semaphore_mem>>)
      %dma_wait3A = arith.constant 0 : i32
      %dma_wait3A_13 = tpu.memref_slice %arg6[%arg0, %mul3A_2, %dma_wait3A] : memref<2x10240x128xf32, #tpu.memory_space<hbm>> -> memref<1x640x128xf32, #tpu.memory_space<hbm>>
      %dma_wait3A_14 = tpu.memref_squeeze %dma_wait3A_13 : memref<1x640x128xf32, #tpu.memory_space<hbm>> -> memref<640x128xf32, #tpu.memory_space<hbm>>
      %dma_wait3A_15 = arith.constant 0 : i32
      %dma_wait3A_16 = tpu.memref_slice %arg10[%mul3A_2, %dma_wait3A_15] : memref<10240x128xf32, #tpu.memory_space<vmem_shared>> -> memref<640x128xf32, #tpu.memory_space<vmem_shared>>
      tpu.wait_dma2 semaphore(%run_scoped3A : memref<!tpu.dma_semaphore, #tpu.memory_space<semaphore_mem>>) src(%dma_wait3A_16 : memref<640x128xf32, #tpu.memory_space<vmem_shared>>) dst(%dma_wait3A_14 : memref<640x128xf32, #tpu.memory_space<hbm>>)
      tpu.yield
    }) : () -> ()
    return
  }
}

#map = affine_map<(d0, d1) -> (0, 0, 0)>
#map1 = affine_map<(d0, d1) -> (0, 0)>
module attributes {stable_mosaic.version = 14 : i64} {
  func.func @_deg_sc(%arg0: i32, %arg1: i32, %arg2: memref<32x79x128xi32, #tpu.memory_space<hbm>>, %arg3: memref<640x128xf32, #tpu.memory_space<hbm>>, %arg4: memref<128x128xf32, #tpu.memory_space<hbm>>, %arg5: memref<2x10240x128xf32, #tpu.memory_space<hbm>>, %arg6: memref<79x128xi32, #tpu.memory_space<vmem>>, %arg7: memref<128x128xf32, #tpu.memory_space<vmem>>, %arg8: memref<10240x128xf32, #tpu.memory_space<vmem_shared>>) attributes {dimension_semantics = [#tpu.dimension_semantics<core_parallel>, #tpu.dimension_semantics<subcore_parallel>], iteration_bounds = array<i64: 2, 16>, scalar_prefetch = 0 : i64, scratch_operands = 3 : i64, tpu.core_type = #tpu.core_type<sc_vector_subcore>, window_params = [{transform_indices = #map}, {transform_indices = #map1}, {transform_indices = #map1}, {transform_indices = #map}]} {
    %mul3A = arith.constant 16 : i32
    %mul3A_0 = arith.muli %arg0, %mul3A : i32
    %add3A = arith.addi %mul3A_0, %arg1 : i32
    %mul3A_1 = arith.constant 640 : i32
    %mul3A_2 = arith.muli %arg1, %mul3A_1 : i32
    "tpu.region"() ({
      %run_scoped3A = tpu.sem_alloc : memref<!tpu.dma_semaphore, #tpu.memory_space<semaphore_mem>>
      %dma_start3A = arith.constant 0 : i32
      %dma_start3A_9 = tpu.memref_slice %arg8[%mul3A_2, %dma_start3A] : memref<10240x128xf32, #tpu.memory_space<vmem_shared>> -> memref<640x128xf32, #tpu.memory_space<vmem_shared>>
      tpu.enqueue_dma source(%arg3 : memref<640x128xf32, #tpu.memory_space<hbm>>) target(%dma_start3A_9 : memref<640x128xf32, #tpu.memory_space<vmem_shared>>) target_semaphore(%run_scoped3A : memref<!tpu.dma_semaphore, #tpu.memory_space<semaphore_mem>>)
      %dma_wait3A = arith.constant 0 : i32
      %dma_wait3A_10 = tpu.memref_slice %arg8[%mul3A_2, %dma_wait3A] : memref<10240x128xf32, #tpu.memory_space<vmem_shared>> -> memref<640x128xf32, #tpu.memory_space<vmem_shared>>
      tpu.wait_dma2 semaphore(%run_scoped3A : memref<!tpu.dma_semaphore, #tpu.memory_space<semaphore_mem>>) src(%arg3 : memref<640x128xf32, #tpu.memory_space<hbm>>) dst(%dma_wait3A_10 : memref<640x128xf32, #tpu.memory_space<vmem_shared>>)
      tpu.yield
    }) : () -> ()
    "tpu.region"() ({
      %run_scoped3A = tpu.sem_alloc : memref<!tpu.dma_semaphore, #tpu.memory_space<semaphore_mem>>
      %dma_start3A = arith.constant 0 : i32
      %dma_start3A_9 = arith.constant 0 : i32
      %dma_start3A_10 = tpu.memref_slice %arg2[%add3A, %dma_start3A, %dma_start3A_9] : memref<32x79x128xi32, #tpu.memory_space<hbm>> -> memref<1x79x128xi32, #tpu.memory_space<hbm>>
      %dma_start3A_11 = tpu.memref_squeeze %dma_start3A_10 : memref<1x79x128xi32, #tpu.memory_space<hbm>> -> memref<79x128xi32, #tpu.memory_space<hbm>>
      %dma_start3A_12 = arith.constant 0 : i32
      %dma_start3A_13 = arith.constant 0 : i32
      %dma_start3A_14 = tpu.memref_slice %arg2[%add3A, %dma_start3A_12, %dma_start3A_13] : memref<32x79x128xi32, #tpu.memory_space<hbm>> -> memref<1x79x128xi32, #tpu.memory_space<hbm>>
      %dma_start3A_15 = tpu.memref_squeeze %dma_start3A_14 : memref<1x79x128xi32, #tpu.memory_space<hbm>> -> memref<79x128xi32, #tpu.memory_space<hbm>>
      tpu.enqueue_dma source(%dma_start3A_15 : memref<79x128xi32, #tpu.memory_space<hbm>>) target(%arg6 : memref<79x128xi32, #tpu.memory_space<vmem>>) target_semaphore(%run_scoped3A : memref<!tpu.dma_semaphore, #tpu.memory_space<semaphore_mem>>)
      %dma_wait3A = arith.constant 0 : i32
      %dma_wait3A_16 = arith.constant 0 : i32
      %dma_wait3A_17 = tpu.memref_slice %arg2[%add3A, %dma_wait3A, %dma_wait3A_16] : memref<32x79x128xi32, #tpu.memory_space<hbm>> -> memref<1x79x128xi32, #tpu.memory_space<hbm>>
      %dma_wait3A_18 = tpu.memref_squeeze %dma_wait3A_17 : memref<1x79x128xi32, #tpu.memory_space<hbm>> -> memref<79x128xi32, #tpu.memory_space<hbm>>
      %dma_wait3A_19 = arith.constant 0 : i32
      %dma_wait3A_20 = arith.constant 0 : i32
      %dma_wait3A_21 = tpu.memref_slice %arg2[%add3A, %dma_wait3A_19, %dma_wait3A_20] : memref<32x79x128xi32, #tpu.memory_space<hbm>> -> memref<1x79x128xi32, #tpu.memory_space<hbm>>
      %dma_wait3A_22 = tpu.memref_squeeze %dma_wait3A_21 : memref<1x79x128xi32, #tpu.memory_space<hbm>> -> memref<79x128xi32, #tpu.memory_space<hbm>>
      tpu.wait_dma2 semaphore(%run_scoped3A : memref<!tpu.dma_semaphore, #tpu.memory_space<semaphore_mem>>) src(%dma_wait3A_22 : memref<79x128xi32, #tpu.memory_space<hbm>>) dst(%arg6 : memref<79x128xi32, #tpu.memory_space<vmem>>)
      tpu.yield
    }) : () -> ()
    "tpu.region"() ({
      %run_scoped3A = tpu.sem_alloc : memref<!tpu.dma_semaphore, #tpu.memory_space<semaphore_mem>>
      tpu.enqueue_dma source(%arg4 : memref<128x128xf32, #tpu.memory_space<hbm>>) target(%arg7 : memref<128x128xf32, #tpu.memory_space<vmem>>) target_semaphore(%run_scoped3A : memref<!tpu.dma_semaphore, #tpu.memory_space<semaphore_mem>>)
      tpu.wait_dma2 semaphore(%run_scoped3A : memref<!tpu.dma_semaphore, #tpu.memory_space<semaphore_mem>>) src(%arg4 : memref<128x128xf32, #tpu.memory_space<hbm>>) dst(%arg7 : memref<128x128xf32, #tpu.memory_space<vmem>>)
      tpu.yield
    }) : () -> ()
    %barrier3A = arith.constant 0 : index
    tpu.barrier barrier_id(%barrier3A)
    %scan3A = arith.constant 0 : i32
    %scan3A_3 = arith.constant 0 : i32
    %scan3A_4 = arith.constant 79 : i32
    %scan3A_5 = arith.addi %scan3A_3, %scan3A_4 : i32
    %scan3A_6 = arith.constant 1 : i32
    scf.for %scan3A_9 = %scan3A_3 to %scan3A_5 step %scan3A_6  : i32 {
      "tpu.region"() ({
        %run_scoped3A = tpu.sem_alloc : memref<!tpu.dma_semaphore, #tpu.memory_space<semaphore_mem>>
        %dma_start3A = arith.constant 0 : i32
        %dma_start3A_10 = tpu.memref_slice %arg6[%scan3A_9, %dma_start3A] : memref<79x128xi32, #tpu.memory_space<vmem>> -> memref<1x128xi32, #tpu.memory_space<vmem>>
        %dma_start3A_11 = tpu.memref_squeeze %dma_start3A_10 : memref<1x128xi32, #tpu.memory_space<vmem>> -> memref<128xi32, #tpu.memory_space<vmem>>
        %dma_start3A_12 = arith.constant 0 : i32
        %dma_start3A_13 = arith.constant 0 : i32
        %dma_start3A_14 = tpu.memref_slice %arg8[%dma_start3A_12, %dma_start3A_13] : memref<10240x128xf32, #tpu.memory_space<vmem_shared>> -> memref<10240x128xf32, #tpu.memory_space<vmem_shared>>
        tpu.enqueue_indirect_dma source(%arg7 : memref<128x128xf32, #tpu.memory_space<vmem>>) target(%dma_start3A_14 : memref<10240x128xf32, #tpu.memory_space<vmem_shared>>) offsets(%dma_start3A_11 : memref<128xi32, #tpu.memory_space<vmem>>) semaphore(%run_scoped3A : memref<!tpu.dma_semaphore, #tpu.memory_space<semaphore_mem>>) {add = true}
        %dma_wait3A = arith.constant 0 : i32
        %dma_wait3A_15 = tpu.memref_slice %arg6[%scan3A_9, %dma_wait3A] : memref<79x128xi32, #tpu.memory_space<vmem>> -> memref<1x128xi32, #tpu.memory_space<vmem>>
        %dma_wait3A_16 = tpu.memref_squeeze %dma_wait3A_15 : memref<1x128xi32, #tpu.memory_space<vmem>> -> memref<128xi32, #tpu.memory_space<vmem>>
        %dma_wait3A_17 = arith.constant 0 : i32
        %dma_wait3A_18 = arith.constant 0 : i32
        %dma_wait3A_19 = tpu.memref_slice %arg8[%dma_wait3A_17, %dma_wait3A_18] : memref<10240x128xf32, #tpu.memory_space<vmem_shared>> -> memref<10240x128xf32, #tpu.memory_space<vmem_shared>>
        tpu.wait_indirect_dma semaphore(%run_scoped3A : memref<!tpu.dma_semaphore, #tpu.memory_space<semaphore_mem>>) src(%arg7 : memref<128x128xf32, #tpu.memory_space<vmem>>) dst(%dma_wait3A_19 : memref<10240x128xf32, #tpu.memory_space<vmem_shared>>)
        tpu.yield
      }) : () -> ()
    }
    %scan3A_7 = arith.constant 79 : i32
    %barrier3A_8 = arith.constant 0 : index
    tpu.barrier barrier_id(%barrier3A_8)
    "tpu.region"() ({
      %run_scoped3A = tpu.sem_alloc : memref<!tpu.dma_semaphore, #tpu.memory_space<semaphore_mem>>
      %dma_start3A = arith.constant 0 : i32
      %dma_start3A_9 = tpu.memref_slice %arg5[%arg0, %mul3A_2, %dma_start3A] : memref<2x10240x128xf32, #tpu.memory_space<hbm>> -> memref<1x640x128xf32, #tpu.memory_space<hbm>>
      %dma_start3A_10 = tpu.memref_squeeze %dma_start3A_9 : memref<1x640x128xf32, #tpu.memory_space<hbm>> -> memref<640x128xf32, #tpu.memory_space<hbm>>
      %dma_start3A_11 = arith.constant 0 : i32
      %dma_start3A_12 = tpu.memref_slice %arg8[%mul3A_2, %dma_start3A_11] : memref<10240x128xf32, #tpu.memory_space<vmem_shared>> -> memref<640x128xf32, #tpu.memory_space<vmem_shared>>
      tpu.enqueue_dma source(%dma_start3A_12 : memref<640x128xf32, #tpu.memory_space<vmem_shared>>) target(%dma_start3A_10 : memref<640x128xf32, #tpu.memory_space<hbm>>) target_semaphore(%run_scoped3A : memref<!tpu.dma_semaphore, #tpu.memory_space<semaphore_mem>>)
      %dma_wait3A = arith.constant 0 : i32
      %dma_wait3A_13 = tpu.memref_slice %arg5[%arg0, %mul3A_2, %dma_wait3A] : memref<2x10240x128xf32, #tpu.memory_space<hbm>> -> memref<1x640x128xf32, #tpu.memory_space<hbm>>
      %dma_wait3A_14 = tpu.memref_squeeze %dma_wait3A_13 : memref<1x640x128xf32, #tpu.memory_space<hbm>> -> memref<640x128xf32, #tpu.memory_space<hbm>>
      %dma_wait3A_15 = arith.constant 0 : i32
      %dma_wait3A_16 = tpu.memref_slice %arg8[%mul3A_2, %dma_wait3A_15] : memref<10240x128xf32, #tpu.memory_space<vmem_shared>> -> memref<640x128xf32, #tpu.memory_space<vmem_shared>>
      tpu.wait_dma2 semaphore(%run_scoped3A : memref<!tpu.dma_semaphore, #tpu.memory_space<semaphore_mem>>) src(%dma_wait3A_16 : memref<640x128xf32, #tpu.memory_space<vmem_shared>>) dst(%dma_wait3A_14 : memref<640x128xf32, #tpu.memory_space<hbm>>)
      tpu.yield
    }) : () -> ()
    return
  }
}

#map = affine_map<(d0, d1) -> (0, 0)>
#map1 = affine_map<(d0, d1) -> (0, 0, 0)>
module attributes {stable_mosaic.version = 14 : i64} {
  func.func @_edge_sc(%arg0: i32, %arg1: i32, %arg2: memref<10240x128xf32, #tpu.memory_space<hbm>>, %arg3: memref<32x79x128xi32, #tpu.memory_space<hbm>>, %arg4: memref<32x79x128xi32, #tpu.memory_space<hbm>>, %arg5: memref<640x128xf32, #tpu.memory_space<hbm>>, %arg6: memref<2x10240x128xf32, #tpu.memory_space<hbm>>, %arg7: memref<79x128xi32, #tpu.memory_space<vmem>>, %arg8: memref<79x128xi32, #tpu.memory_space<vmem>>, %arg9: memref<128x128xf32, #tpu.memory_space<vmem>>, %arg10: memref<10240x128xf32, #tpu.memory_space<vmem_shared>>, %arg11: memref<!tpu.dma_semaphore, #tpu.memory_space<semaphore_mem>>) attributes {dimension_semantics = [#tpu.dimension_semantics<core_parallel>, #tpu.dimension_semantics<subcore_parallel>], iteration_bounds = array<i64: 2, 16>, scalar_prefetch = 0 : i64, scratch_operands = 5 : i64, tpu.core_type = #tpu.core_type<sc_vector_subcore>, window_params = [{transform_indices = #map}, {transform_indices = #map1}, {transform_indices = #map1}, {transform_indices = #map}, {transform_indices = #map1}]} {
    %mul3A = arith.constant 16 : i32
    %mul3A_0 = arith.muli %arg0, %mul3A : i32
    %add3A = arith.addi %mul3A_0, %arg1 : i32
    %mul3A_1 = arith.constant 640 : i32
    %mul3A_2 = arith.muli %arg1, %mul3A_1 : i32
    "tpu.region"() ({
      %run_scoped3A = tpu.sem_alloc : memref<!tpu.dma_semaphore, #tpu.memory_space<semaphore_mem>>
      %dma_start3A = arith.constant 0 : i32
      %dma_start3A_9 = tpu.memref_slice %arg10[%mul3A_2, %dma_start3A] : memref<10240x128xf32, #tpu.memory_space<vmem_shared>> -> memref<640x128xf32, #tpu.memory_space<vmem_shared>>
      tpu.enqueue_dma source(%arg5 : memref<640x128xf32, #tpu.memory_space<hbm>>) target(%dma_start3A_9 : memref<640x128xf32, #tpu.memory_space<vmem_shared>>) target_semaphore(%run_scoped3A : memref<!tpu.dma_semaphore, #tpu.memory_space<semaphore_mem>>)
      %dma_wait3A = arith.constant 0 : i32
      %dma_wait3A_10 = tpu.memref_slice %arg10[%mul3A_2, %dma_wait3A] : memref<10240x128xf32, #tpu.memory_space<vmem_shared>> -> memref<640x128xf32, #tpu.memory_space<vmem_shared>>
      tpu.wait_dma2 semaphore(%run_scoped3A : memref<!tpu.dma_semaphore, #tpu.memory_space<semaphore_mem>>) src(%arg5 : memref<640x128xf32, #tpu.memory_space<hbm>>) dst(%dma_wait3A_10 : memref<640x128xf32, #tpu.memory_space<vmem_shared>>)
      tpu.yield
    }) : () -> ()
    "tpu.region"() ({
      %run_scoped3A = tpu.sem_alloc : memref<!tpu.dma_semaphore, #tpu.memory_space<semaphore_mem>>
      %dma_start3A = arith.constant 0 : i32
      %dma_start3A_9 = arith.constant 0 : i32
      %dma_start3A_10 = tpu.memref_slice %arg3[%add3A, %dma_start3A, %dma_start3A_9] : memref<32x79x128xi32, #tpu.memory_space<hbm>> -> memref<1x79x128xi32, #tpu.memory_space<hbm>>
      %dma_start3A_11 = tpu.memref_squeeze %dma_start3A_10 : memref<1x79x128xi32, #tpu.memory_space<hbm>> -> memref<79x128xi32, #tpu.memory_space<hbm>>
      %dma_start3A_12 = arith.constant 0 : i32
      %dma_start3A_13 = arith.constant 0 : i32
      %dma_start3A_14 = tpu.memref_slice %arg3[%add3A, %dma_start3A_12, %dma_start3A_13] : memref<32x79x128xi32, #tpu.memory_space<hbm>> -> memref<1x79x128xi32, #tpu.memory_space<hbm>>
      %dma_start3A_15 = tpu.memref_squeeze %dma_start3A_14 : memref<1x79x128xi32, #tpu.memory_space<hbm>> -> memref<79x128xi32, #tpu.memory_space<hbm>>
      tpu.enqueue_dma source(%dma_start3A_15 : memref<79x128xi32, #tpu.memory_space<hbm>>) target(%arg7 : memref<79x128xi32, #tpu.memory_space<vmem>>) target_semaphore(%run_scoped3A : memref<!tpu.dma_semaphore, #tpu.memory_space<semaphore_mem>>)
      %dma_wait3A = arith.constant 0 : i32
      %dma_wait3A_16 = arith.constant 0 : i32
      %dma_wait3A_17 = tpu.memref_slice %arg3[%add3A, %dma_wait3A, %dma_wait3A_16] : memref<32x79x128xi32, #tpu.memory_space<hbm>> -> memref<1x79x128xi32, #tpu.memory_space<hbm>>
      %dma_wait3A_18 = tpu.memref_squeeze %dma_wait3A_17 : memref<1x79x128xi32, #tpu.memory_space<hbm>> -> memref<79x128xi32, #tpu.memory_space<hbm>>
      %dma_wait3A_19 = arith.constant 0 : i32
      %dma_wait3A_20 = arith.constant 0 : i32
      %dma_wait3A_21 = tpu.memref_slice %arg3[%add3A, %dma_wait3A_19, %dma_wait3A_20] : memref<32x79x128xi32, #tpu.memory_space<hbm>> -> memref<1x79x128xi32, #tpu.memory_space<hbm>>
      %dma_wait3A_22 = tpu.memref_squeeze %dma_wait3A_21 : memref<1x79x128xi32, #tpu.memory_space<hbm>> -> memref<79x128xi32, #tpu.memory_space<hbm>>
      tpu.wait_dma2 semaphore(%run_scoped3A : memref<!tpu.dma_semaphore, #tpu.memory_space<semaphore_mem>>) src(%dma_wait3A_22 : memref<79x128xi32, #tpu.memory_space<hbm>>) dst(%arg7 : memref<79x128xi32, #tpu.memory_space<vmem>>)
      tpu.yield
    }) : () -> ()
    "tpu.region"() ({
      %run_scoped3A = tpu.sem_alloc : memref<!tpu.dma_semaphore, #tpu.memory_space<semaphore_mem>>
      %dma_start3A = arith.constant 0 : i32
      %dma_start3A_9 = arith.constant 0 : i32
      %dma_start3A_10 = tpu.memref_slice %arg4[%add3A, %dma_start3A, %dma_start3A_9] : memref<32x79x128xi32, #tpu.memory_space<hbm>> -> memref<1x79x128xi32, #tpu.memory_space<hbm>>
      %dma_start3A_11 = tpu.memref_squeeze %dma_start3A_10 : memref<1x79x128xi32, #tpu.memory_space<hbm>> -> memref<79x128xi32, #tpu.memory_space<hbm>>
      %dma_start3A_12 = arith.constant 0 : i32
      %dma_start3A_13 = arith.constant 0 : i32
      %dma_start3A_14 = tpu.memref_slice %arg4[%add3A, %dma_start3A_12, %dma_start3A_13] : memref<32x79x128xi32, #tpu.memory_space<hbm>> -> memref<1x79x128xi32, #tpu.memory_space<hbm>>
      %dma_start3A_15 = tpu.memref_squeeze %dma_start3A_14 : memref<1x79x128xi32, #tpu.memory_space<hbm>> -> memref<79x128xi32, #tpu.memory_space<hbm>>
      tpu.enqueue_dma source(%dma_start3A_15 : memref<79x128xi32, #tpu.memory_space<hbm>>) target(%arg8 : memref<79x128xi32, #tpu.memory_space<vmem>>) target_semaphore(%run_scoped3A : memref<!tpu.dma_semaphore, #tpu.memory_space<semaphore_mem>>)
      %dma_wait3A = arith.constant 0 : i32
      %dma_wait3A_16 = arith.constant 0 : i32
      %dma_wait3A_17 = tpu.memref_slice %arg4[%add3A, %dma_wait3A, %dma_wait3A_16] : memref<32x79x128xi32, #tpu.memory_space<hbm>> -> memref<1x79x128xi32, #tpu.memory_space<hbm>>
      %dma_wait3A_18 = tpu.memref_squeeze %dma_wait3A_17 : memref<1x79x128xi32, #tpu.memory_space<hbm>> -> memref<79x128xi32, #tpu.memory_space<hbm>>
      %dma_wait3A_19 = arith.constant 0 : i32
      %dma_wait3A_20 = arith.constant 0 : i32
      %dma_wait3A_21 = tpu.memref_slice %arg4[%add3A, %dma_wait3A_19, %dma_wait3A_20] : memref<32x79x128xi32, #tpu.memory_space<hbm>> -> memref<1x79x128xi32, #tpu.memory_space<hbm>>
      %dma_wait3A_22 = tpu.memref_squeeze %dma_wait3A_21 : memref<1x79x128xi32, #tpu.memory_space<hbm>> -> memref<79x128xi32, #tpu.memory_space<hbm>>
      tpu.wait_dma2 semaphore(%run_scoped3A : memref<!tpu.dma_semaphore, #tpu.memory_space<semaphore_mem>>) src(%dma_wait3A_22 : memref<79x128xi32, #tpu.memory_space<hbm>>) dst(%arg8 : memref<79x128xi32, #tpu.memory_space<vmem>>)
      tpu.yield
    }) : () -> ()
    %barrier3A = arith.constant 0 : index
    tpu.barrier barrier_id(%barrier3A)
    %scan3A = arith.constant 0 : i32
    %scan3A_3 = arith.constant 0 : i32
    %scan3A_4 = arith.constant 79 : i32
    %scan3A_5 = arith.addi %scan3A_3, %scan3A_4 : i32
    %scan3A_6 = arith.constant 1 : i32
    scf.for %scan3A_9 = %scan3A_3 to %scan3A_5 step %scan3A_6  : i32 {
      %dma_start3A = arith.constant 0 : i32
      %dma_start3A_10 = tpu.memref_slice %arg7[%scan3A_9, %dma_start3A] : memref<79x128xi32, #tpu.memory_space<vmem>> -> memref<1x128xi32, #tpu.memory_space<vmem>>
      %dma_start3A_11 = tpu.memref_squeeze %dma_start3A_10 : memref<1x128xi32, #tpu.memory_space<vmem>> -> memref<128xi32, #tpu.memory_space<vmem>>
      %dma_start3A_12 = arith.constant 0 : i32
      %dma_start3A_13 = arith.constant 0 : i32
      %dma_start3A_14 = tpu.memref_slice %arg2[%dma_start3A_12, %dma_start3A_13] : memref<10240x128xf32, #tpu.memory_space<hbm>> -> memref<10240x128xf32, #tpu.memory_space<hbm>>
      tpu.enqueue_indirect_dma source(%dma_start3A_14 : memref<10240x128xf32, #tpu.memory_space<hbm>>) target(%arg9 : memref<128x128xf32, #tpu.memory_space<vmem>>) offsets(%dma_start3A_11 : memref<128xi32, #tpu.memory_space<vmem>>) semaphore(%arg11 : memref<!tpu.dma_semaphore, #tpu.memory_space<semaphore_mem>>)
      %dma_wait3A = arith.constant 0 : i32
      %dma_wait3A_15 = tpu.memref_slice %arg7[%scan3A_9, %dma_wait3A] : memref<79x128xi32, #tpu.memory_space<vmem>> -> memref<1x128xi32, #tpu.memory_space<vmem>>
      %dma_wait3A_16 = tpu.memref_squeeze %dma_wait3A_15 : memref<1x128xi32, #tpu.memory_space<vmem>> -> memref<128xi32, #tpu.memory_space<vmem>>
      %dma_wait3A_17 = arith.constant 0 : i32
      %dma_wait3A_18 = arith.constant 0 : i32
      %dma_wait3A_19 = tpu.memref_slice %arg2[%dma_wait3A_17, %dma_wait3A_18] : memref<10240x128xf32, #tpu.memory_space<hbm>> -> memref<10240x128xf32, #tpu.memory_space<hbm>>
      tpu.wait_indirect_dma semaphore(%arg11 : memref<!tpu.dma_semaphore, #tpu.memory_space<semaphore_mem>>) src(%dma_wait3A_19 : memref<10240x128xf32, #tpu.memory_space<hbm>>) dst(%arg9 : memref<128x128xf32, #tpu.memory_space<vmem>>)
      "tpu.region"() ({
        %run_scoped3A = tpu.sem_alloc : memref<!tpu.dma_semaphore, #tpu.memory_space<semaphore_mem>>
        %dma_start3A_20 = arith.constant 0 : i32
        %dma_start3A_21 = tpu.memref_slice %arg8[%scan3A_9, %dma_start3A_20] : memref<79x128xi32, #tpu.memory_space<vmem>> -> memref<1x128xi32, #tpu.memory_space<vmem>>
        %dma_start3A_22 = tpu.memref_squeeze %dma_start3A_21 : memref<1x128xi32, #tpu.memory_space<vmem>> -> memref<128xi32, #tpu.memory_space<vmem>>
        %dma_start3A_23 = arith.constant 0 : i32
        %dma_start3A_24 = arith.constant 0 : i32
        %dma_start3A_25 = tpu.memref_slice %arg10[%dma_start3A_23, %dma_start3A_24] : memref<10240x128xf32, #tpu.memory_space<vmem_shared>> -> memref<10240x128xf32, #tpu.memory_space<vmem_shared>>
        tpu.enqueue_indirect_dma source(%arg9 : memref<128x128xf32, #tpu.memory_space<vmem>>) target(%dma_start3A_25 : memref<10240x128xf32, #tpu.memory_space<vmem_shared>>) offsets(%dma_start3A_22 : memref<128xi32, #tpu.memory_space<vmem>>) semaphore(%run_scoped3A : memref<!tpu.dma_semaphore, #tpu.memory_space<semaphore_mem>>) {add = true}
        %dma_wait3A_26 = arith.constant 0 : i32
        %dma_wait3A_27 = tpu.memref_slice %arg8[%scan3A_9, %dma_wait3A_26] : memref<79x128xi32, #tpu.memory_space<vmem>> -> memref<1x128xi32, #tpu.memory_space<vmem>>
        %dma_wait3A_28 = tpu.memref_squeeze %dma_wait3A_27 : memref<1x128xi32, #tpu.memory_space<vmem>> -> memref<128xi32, #tpu.memory_space<vmem>>
        %dma_wait3A_29 = arith.constant 0 : i32
        %dma_wait3A_30 = arith.constant 0 : i32
        %dma_wait3A_31 = tpu.memref_slice %arg10[%dma_wait3A_29, %dma_wait3A_30] : memref<10240x128xf32, #tpu.memory_space<vmem_shared>> -> memref<10240x128xf32, #tpu.memory_space<vmem_shared>>
        tpu.wait_indirect_dma semaphore(%run_scoped3A : memref<!tpu.dma_semaphore, #tpu.memory_space<semaphore_mem>>) src(%arg9 : memref<128x128xf32, #tpu.memory_space<vmem>>) dst(%dma_wait3A_31 : memref<10240x128xf32, #tpu.memory_space<vmem_shared>>)
        tpu.yield
      }) : () -> ()
    }
    %scan3A_7 = arith.constant 79 : i32
    %barrier3A_8 = arith.constant 0 : index
    tpu.barrier barrier_id(%barrier3A_8)
    "tpu.region"() ({
      %run_scoped3A = tpu.sem_alloc : memref<!tpu.dma_semaphore, #tpu.memory_space<semaphore_mem>>
      %dma_start3A = arith.constant 0 : i32
      %dma_start3A_9 = tpu.memref_slice %arg6[%arg0, %mul3A_2, %dma_start3A] : memref<2x10240x128xf32, #tpu.memory_space<hbm>> -> memref<1x640x128xf32, #tpu.memory_space<hbm>>
      %dma_start3A_10 = tpu.memref_squeeze %dma_start3A_9 : memref<1x640x128xf32, #tpu.memory_space<hbm>> -> memref<640x128xf32, #tpu.memory_space<hbm>>
      %dma_start3A_11 = arith.constant 0 : i32
      %dma_start3A_12 = tpu.memref_slice %arg10[%mul3A_2, %dma_start3A_11] : memref<10240x128xf32, #tpu.memory_space<vmem_shared>> -> memref<640x128xf32, #tpu.memory_space<vmem_shared>>
      tpu.enqueue_dma source(%dma_start3A_12 : memref<640x128xf32, #tpu.memory_space<vmem_shared>>) target(%dma_start3A_10 : memref<640x128xf32, #tpu.memory_space<hbm>>) target_semaphore(%run_scoped3A : memref<!tpu.dma_semaphore, #tpu.memory_space<semaphore_mem>>)
      %dma_wait3A = arith.constant 0 : i32
      %dma_wait3A_13 = tpu.memref_slice %arg6[%arg0, %mul3A_2, %dma_wait3A] : memref<2x10240x128xf32, #tpu.memory_space<hbm>> -> memref<1x640x128xf32, #tpu.memory_space<hbm>>
      %dma_wait3A_14 = tpu.memref_squeeze %dma_wait3A_13 : memref<1x640x128xf32, #tpu.memory_space<hbm>> -> memref<640x128xf32, #tpu.memory_space<hbm>>
      %dma_wait3A_15 = arith.constant 0 : i32
      %dma_wait3A_16 = tpu.memref_slice %arg10[%mul3A_2, %dma_wait3A_15] : memref<10240x128xf32, #tpu.memory_space<vmem_shared>> -> memref<640x128xf32, #tpu.memory_space<vmem_shared>>
      tpu.wait_dma2 semaphore(%run_scoped3A : memref<!tpu.dma_semaphore, #tpu.memory_space<semaphore_mem>>) src(%dma_wait3A_16 : memref<640x128xf32, #tpu.memory_space<vmem_shared>>) dst(%dma_wait3A_14 : memref<640x128xf32, #tpu.memory_space<hbm>>)
      tpu.yield
    }) : () -> ()
    return
  }
}

module attributes {stable_mosaic.version = 14 : i64} {
  func.func @_tc_first_body(%arg0: i32, %arg1: memref<2x512x128xf32, #tpu.memory_space<vmem>>, %arg2: memref<512x128xf32, #tpu.memory_space<vmem>>, %arg3: memref<128x128xf32, #tpu.memory_space<vmem>>, %arg4: memref<512x128xf32, #tpu.memory_space<vmem>>, %arg5: memref<512x1xf32, #tpu.memory_space<vmem>>) attributes {dimension_semantics = [#tpu.dimension_semantics<arbitrary>], iteration_bounds = array<i64: 20>, scalar_prefetch = 0 : i64, scratch_operands = 0 : i64, tpu.core_type = #tpu.core_type<tc>, window_params = [{transform_indices = @transform_0, window_bounds = array<i64: 2, 512, 128>}, {transform_indices = @transform_1, window_bounds = array<i64: 512, 128>}, {pipeline_mode = #tpu.pipeline_mode<synchronous>, transform_indices = @transform_2, window_bounds = array<i64: 128, 128>}, {transform_indices = @transform_3, window_bounds = array<i64: 512, 128>}, {transform_indices = @transform_4, window_bounds = array<i64: 512, 1>}]} {
    %get3A = arith.constant 0 : index
    %get3A_0 = arith.constant 0 : index
    %get3A_1 = arith.constant 0 : index
    %get3A_2 = vector.load %arg1[%get3A, %get3A_0, %get3A_1] : memref<2x512x128xf32, #tpu.memory_space<vmem>>, vector<2x512x128xf32>
    %slice3A = vector.extract_strided_slice %get3A_2 {offsets = [0, 0, 0], sizes = [1, 512, 1], strides = [1, 1, 1]} : vector<2x512x128xf32> to vector<1x512x1xf32>
    %squeeze3A = vector.shape_cast %slice3A : vector<1x512x1xf32> to vector<512x1xf32>
    %slice3A_3 = vector.extract_strided_slice %get3A_2 {offsets = [1, 0, 0], sizes = [1, 512, 1], strides = [1, 1, 1]} : vector<2x512x128xf32> to vector<1x512x1xf32>
    %squeeze3A_4 = vector.shape_cast %slice3A_3 : vector<1x512x1xf32> to vector<512x1xf32>
    %add3A = arith.addf %squeeze3A, %squeeze3A_4 : vector<512x1xf32>
    %add3A_5 = arith.constant 1.000000e+00 : f32
    %add3A_6 = vector.broadcast %add3A_5 : f32 to vector<512x1xf32>
    %add3A_7 = arith.addf %add3A, %add3A_6 : vector<512x1xf32>
    %rsqrt3A = math.rsqrt %add3A_7 : vector<512x1xf32>
    %swap3A = arith.constant 0 : index
    %swap3A_8 = arith.constant 0 : index
    %swap3A_9 = vector.load %arg5[%swap3A, %swap3A_8] : memref<512x1xf32, #tpu.memory_space<vmem>>, vector<512x1xf32>
    tpu.vector_store %arg5[%swap3A, %swap3A_8], %rsqrt3A {strides = array<i32>} : memref<512x1xf32, #tpu.memory_space<vmem>>, vector<512x1xf32>,
    %get3A_10 = arith.constant 0 : index
    %get3A_11 = arith.constant 0 : index
    %get3A_12 = vector.load %arg2[%get3A_10, %get3A_11] : memref<512x128xf32, #tpu.memory_space<vmem>>, vector<512x128xf32>
    %get3A_13 = arith.constant 0 : index
    %get3A_14 = arith.constant 0 : index
    %get3A_15 = vector.load %arg3[%get3A_13, %get3A_14] : memref<128x128xf32, #tpu.memory_space<vmem>>, vector<128x128xf32>
    %dot_general3A = arith.constant dense<0.000000e+00> : vector<512x128xf32>
    %dot_general3A_16 = tpu.matmul %get3A_12, %get3A_15, %dot_general3A {dimension_numbers = #tpu.dot_dimension_numbers<[1], [0], [0], [1], [0, 0, 1, 1], [], []>, transpose_lhs_hint = false} : vector<512x128xf32>, vector<128x128xf32>, vector<512x128xf32> -> vector<512x128xf32>
    %mul3A = vector.broadcast %rsqrt3A : vector<512x1xf32> to vector<512x128xf32>
    %mul3A_17 = arith.mulf %mul3A, %dot_general3A_16 : vector<512x128xf32>
    %swap3A_18 = arith.constant 0 : index
    %swap3A_19 = arith.constant 0 : index
    %swap3A_20 = vector.load %arg4[%swap3A_18, %swap3A_19] : memref<512x128xf32, #tpu.memory_space<vmem>>, vector<512x128xf32>
    tpu.vector_store %arg4[%swap3A_18, %swap3A_19], %mul3A_17 {strides = array<i32>} : memref<512x128xf32, #tpu.memory_space<vmem>>, vector<512x128xf32>,
    return
  }
  func.func @transform_0(%arg0: i32) -> (i32, i32, i32) {
    %c0_i32 = arith.constant 0 : i32
    %c0_i32_0 = arith.constant 0 : i32
    %c0_i32_1 = arith.constant 0 : i32
    return %c0_i32, %arg0, %c0_i32_0 : i32, i32, i32
  }
  func.func @transform_1(%arg0: i32) -> (i32, i32) {
    %c0_i32 = arith.constant 0 : i32
    %c0_i32_0 = arith.constant 0 : i32
    return %arg0, %c0_i32 : i32, i32
  }
  func.func @transform_2(%arg0: i32) -> (i32, i32) {
    %c0_i32 = arith.constant 0 : i32
    %c0_i32_0 = arith.constant 0 : i32
    %c0_i32_1 = arith.constant 0 : i32
    return %c0_i32, %c0_i32_0 : i32, i32
  }
  func.func @transform_3(%arg0: i32) -> (i32, i32) {
    %c0_i32 = arith.constant 0 : i32
    %c0_i32_0 = arith.constant 0 : i32
    return %arg0, %c0_i32 : i32, i32
  }
  func.func @transform_4(%arg0: i32) -> (i32, i32) {
    %c0_i32 = arith.constant 0 : i32
    %c0_i32_0 = arith.constant 0 : i32
    return %arg0, %c0_i32 : i32, i32
  }
}

module attributes {stable_mosaic.version = 14 : i64} {
  func.func @_tc_mid_body(%arg0: i32, %arg1: memref<2x512x128xf32, #tpu.memory_space<vmem>>, %arg2: memref<512x128xf32, #tpu.memory_space<vmem>>, %arg3: memref<512x1xf32, #tpu.memory_space<vmem>>, %arg4: memref<1x128xf32, #tpu.memory_space<vmem>>, %arg5: memref<1x128xf32, #tpu.memory_space<vmem>>, %arg6: memref<1x128xf32, #tpu.memory_space<vmem>>, %arg7: memref<128x128xf32, #tpu.memory_space<vmem>>, %arg8: memref<512x128xf32, #tpu.memory_space<vmem>>, %arg9: memref<512x128xf32, #tpu.memory_space<vmem>>) attributes {dimension_semantics = [#tpu.dimension_semantics<arbitrary>], iteration_bounds = array<i64: 20>, scalar_prefetch = 0 : i64, scratch_operands = 0 : i64, tpu.core_type = #tpu.core_type<tc>, window_params = [{transform_indices = @transform_0, window_bounds = array<i64: 2, 512, 128>}, {transform_indices = @transform_1, window_bounds = array<i64: 512, 128>}, {transform_indices = @transform_2, window_bounds = array<i64: 512, 1>}, {pipeline_mode = #tpu.pipeline_mode<synchronous>, transform_indices = @transform_3, window_bounds = array<i64: 1, 128>}, {pipeline_mode = #tpu.pipeline_mode<synchronous>, transform_indices = @transform_4, window_bounds = array<i64: 1, 128>}, {pipeline_mode = #tpu.pipeline_mode<synchronous>, transform_indices = @transform_5, window_bounds = array<i64: 1, 128>}, {pipeline_mode = #tpu.pipeline_mode<synchronous>, transform_indices = @transform_6, window_bounds = array<i64: 128, 128>}, {transform_indices = @transform_7, window_bounds = array<i64: 512, 128>}, {transform_indices = @transform_8, window_bounds = array<i64: 512, 128>}]} {
    %get3A = arith.constant 0 : index
    %get3A_0 = arith.constant 0 : index
    %get3A_1 = arith.constant 0 : index
    %get3A_2 = vector.load %arg1[%get3A, %get3A_0, %get3A_1] : memref<2x512x128xf32, #tpu.memory_space<vmem>>, vector<2x512x128xf32>
    %get3A_3 = arith.constant 0 : index
    %get3A_4 = arith.constant 0 : index
    %get3A_5 = vector.load %arg3[%get3A_3, %get3A_4] : memref<512x1xf32, #tpu.memory_space<vmem>>, vector<512x1xf32>
    %slice3A = vector.extract_strided_slice %get3A_2 {offsets = [0, 0, 0], sizes = [1, 512, 128], strides = [1, 1, 1]} : vector<2x512x128xf32> to vector<1x512x128xf32>
    %squeeze3A = vector.shape_cast %slice3A : vector<1x512x128xf32> to vector<512x128xf32>
    %slice3A_6 = vector.extract_strided_slice %get3A_2 {offsets = [1, 0, 0], sizes = [1, 512, 128], strides = [1, 1, 1]} : vector<2x512x128xf32> to vector<1x512x128xf32>
    %squeeze3A_7 = vector.shape_cast %slice3A_6 : vector<1x512x128xf32> to vector<512x128xf32>
    %add3A = arith.addf %squeeze3A, %squeeze3A_7 : vector<512x128xf32>
    %get3A_8 = arith.constant 0 : index
    %get3A_9 = arith.constant 0 : index
    %get3A_10 = vector.load %arg2[%get3A_8, %get3A_9] : memref<512x128xf32, #tpu.memory_space<vmem>>, vector<512x128xf32>
    %add3A_11 = arith.addf %add3A, %get3A_10 : vector<512x128xf32>
    %mul3A = vector.broadcast %get3A_5 : vector<512x1xf32> to vector<512x128xf32>
    %mul3A_12 = arith.mulf %mul3A, %add3A_11 : vector<512x128xf32>
    %get3A_13 = arith.constant 0 : index
    %get3A_14 = arith.constant 0 : index
    %get3A_15 = vector.load %arg5[%get3A_13, %get3A_14] : memref<1x128xf32, #tpu.memory_space<vmem>>, vector<1x128xf32>
    %add3A_16 = vector.broadcast %get3A_15 : vector<1x128xf32> to vector<512x128xf32>
    %add3A_17 = arith.addf %mul3A_12, %add3A_16 : vector<512x128xf32>
    %get3A_18 = arith.constant 0 : index
    %get3A_19 = arith.constant 0 : index
    %get3A_20 = vector.load %arg4[%get3A_18, %get3A_19] : memref<1x128xf32, #tpu.memory_space<vmem>>, vector<1x128xf32>
    %mul3A_21 = arith.constant 0.999994993 : f32
    %mul3A_22 = vector.broadcast %mul3A_21 : f32 to vector<1x128xf32>
    %mul3A_23 = arith.mulf %get3A_20, %mul3A_22 : vector<1x128xf32>
    %mul3A_24 = vector.broadcast %mul3A_23 : vector<1x128xf32> to vector<512x128xf32>
    %mul3A_25 = arith.mulf %mul3A_24, %add3A_17 : vector<512x128xf32>
    %get3A_26 = arith.constant 0 : index
    %get3A_27 = arith.constant 0 : index
    %get3A_28 = vector.load %arg6[%get3A_26, %get3A_27] : memref<1x128xf32, #tpu.memory_space<vmem>>, vector<1x128xf32>
    %add3A_29 = vector.broadcast %get3A_28 : vector<1x128xf32> to vector<512x128xf32>
    %add3A_30 = arith.addf %mul3A_25, %add3A_29 : vector<512x128xf32>
    %max3A = arith.constant 0.000000e+00 : f32
    %max3A_31 = vector.broadcast %max3A : f32 to vector<512x128xf32>
    %max3A_32 = arith.maximumf %add3A_30, %max3A_31 : vector<512x128xf32>
    %swap3A = arith.constant 0 : index
    %swap3A_33 = arith.constant 0 : index
    %swap3A_34 = vector.load %arg8[%swap3A, %swap3A_33] : memref<512x128xf32, #tpu.memory_space<vmem>>, vector<512x128xf32>
    tpu.vector_store %arg8[%swap3A, %swap3A_33], %max3A_32 {strides = array<i32>} : memref<512x128xf32, #tpu.memory_space<vmem>>, vector<512x128xf32>,
    %get3A_35 = arith.constant 0 : index
    %get3A_36 = arith.constant 0 : index
    %get3A_37 = vector.load %arg3[%get3A_35, %get3A_36] : memref<512x1xf32, #tpu.memory_space<vmem>>, vector<512x1xf32>
    %get3A_38 = arith.constant 0 : index
    %get3A_39 = arith.constant 0 : index
    %get3A_40 = vector.load %arg7[%get3A_38, %get3A_39] : memref<128x128xf32, #tpu.memory_space<vmem>>, vector<128x128xf32>
    %dot_general3A = arith.constant dense<0.000000e+00> : vector<512x128xf32>
    %dot_general3A_41 = tpu.matmul %max3A_32, %get3A_40, %dot_general3A {dimension_numbers = #tpu.dot_dimension_numbers<[1], [0], [0], [1], [0, 0, 1, 1], [], []>, transpose_lhs_hint = false} : vector<512x128xf32>, vector<128x128xf32>, vector<512x128xf32> -> vector<512x128xf32>
    %mul3A_42 = vector.broadcast %get3A_37 : vector<512x1xf32> to vector<512x128xf32>
    %mul3A_43 = arith.mulf %mul3A_42, %dot_general3A_41 : vector<512x128xf32>
    %swap3A_44 = arith.constant 0 : index
    %swap3A_45 = arith.constant 0 : index
    %swap3A_46 = vector.load %arg9[%swap3A_44, %swap3A_45] : memref<512x128xf32, #tpu.memory_space<vmem>>, vector<512x128xf32>
    tpu.vector_store %arg9[%swap3A_44, %swap3A_45], %mul3A_43 {strides = array<i32>} : memref<512x128xf32, #tpu.memory_space<vmem>>, vector<512x128xf32>,
    return
  }
  func.func @transform_0(%arg0: i32) -> (i32, i32, i32) {
    %c0_i32 = arith.constant 0 : i32
    %c0_i32_0 = arith.constant 0 : i32
    %c0_i32_1 = arith.constant 0 : i32
    return %c0_i32, %arg0, %c0_i32_0 : i32, i32, i32
  }
  func.func @transform_1(%arg0: i32) -> (i32, i32) {
    %c0_i32 = arith.constant 0 : i32
    %c0_i32_0 = arith.constant 0 : i32
    return %arg0, %c0_i32 : i32, i32
  }
  func.func @transform_2(%arg0: i32) -> (i32, i32) {
    %c0_i32 = arith.constant 0 : i32
    %c0_i32_0 = arith.constant 0 : i32
    return %arg0, %c0_i32 : i32, i32
  }
  func.func @transform_3(%arg0: i32) -> (i32, i32) {
    %c0_i32 = arith.constant 0 : i32
    %c0_i32_0 = arith.constant 0 : i32
    %c0_i32_1 = arith.constant 0 : i32
    return %c0_i32, %c0_i32_0 : i32, i32
  }
  func.func @transform_4(%arg0: i32) -> (i32, i32) {
    %c0_i32 = arith.constant 0 : i32
    %c0_i32_0 = arith.constant 0 : i32
    %c0_i32_1 = arith.constant 0 : i32
    return %c0_i32, %c0_i32_0 : i32, i32
  }
  func.func @transform_5(%arg0: i32) -> (i32, i32) {
    %c0_i32 = arith.constant 0 : i32
    %c0_i32_0 = arith.constant 0 : i32
    %c0_i32_1 = arith.constant 0 : i32
    return %c0_i32, %c0_i32_0 : i32, i32
  }
  func.func @transform_6(%arg0: i32) -> (i32, i32) {
    %c0_i32 = arith.constant 0 : i32
    %c0_i32_0 = arith.constant 0 : i32
    %c0_i32_1 = arith.constant 0 : i32
    return %c0_i32, %c0_i32_0 : i32, i32
  }
  func.func @transform_7(%arg0: i32) -> (i32, i32) {
    %c0_i32 = arith.constant 0 : i32
    %c0_i32_0 = arith.constant 0 : i32
    return %arg0, %c0_i32 : i32, i32
  }
  func.func @transform_8(%arg0: i32) -> (i32, i32) {
    %c0_i32 = arith.constant 0 : i32
    %c0_i32_0 = arith.constant 0 : i32
    return %arg0, %c0_i32 : i32, i32
  }
}

module attributes {stable_mosaic.version = 14 : i64} {
  func.func @_tc_mid_body(%arg0: i32, %arg1: memref<2x512x128xf32, #tpu.memory_space<vmem>>, %arg2: memref<512x128xf32, #tpu.memory_space<vmem>>, %arg3: memref<512x1xf32, #tpu.memory_space<vmem>>, %arg4: memref<1x128xf32, #tpu.memory_space<vmem>>, %arg5: memref<1x128xf32, #tpu.memory_space<vmem>>, %arg6: memref<1x128xf32, #tpu.memory_space<vmem>>, %arg7: memref<128x128xf32, #tpu.memory_space<vmem>>, %arg8: memref<512x128xf32, #tpu.memory_space<vmem>>, %arg9: memref<512x128xf32, #tpu.memory_space<vmem>>, %arg10: memref<512x128xf32, #tpu.memory_space<vmem>>) attributes {dimension_semantics = [#tpu.dimension_semantics<arbitrary>], iteration_bounds = array<i64: 20>, scalar_prefetch = 0 : i64, scratch_operands = 0 : i64, tpu.core_type = #tpu.core_type<tc>, window_params = [{transform_indices = @transform_0, window_bounds = array<i64: 2, 512, 128>}, {transform_indices = @transform_1, window_bounds = array<i64: 512, 128>}, {transform_indices = @transform_2, window_bounds = array<i64: 512, 1>}, {pipeline_mode = #tpu.pipeline_mode<synchronous>, transform_indices = @transform_3, window_bounds = array<i64: 1, 128>}, {pipeline_mode = #tpu.pipeline_mode<synchronous>, transform_indices = @transform_4, window_bounds = array<i64: 1, 128>}, {pipeline_mode = #tpu.pipeline_mode<synchronous>, transform_indices = @transform_5, window_bounds = array<i64: 1, 128>}, {pipeline_mode = #tpu.pipeline_mode<synchronous>, transform_indices = @transform_6, window_bounds = array<i64: 128, 128>}, {transform_indices = @transform_7, window_bounds = array<i64: 512, 128>}, {transform_indices = @transform_8, window_bounds = array<i64: 512, 128>}, {transform_indices = @transform_9, window_bounds = array<i64: 512, 128>}]} {
    %get3A = arith.constant 0 : index
    %get3A_0 = arith.constant 0 : index
    %get3A_1 = arith.constant 0 : index
    %get3A_2 = vector.load %arg1[%get3A, %get3A_0, %get3A_1] : memref<2x512x128xf32, #tpu.memory_space<vmem>>, vector<2x512x128xf32>
    %get3A_3 = arith.constant 0 : index
    %get3A_4 = arith.constant 0 : index
    %get3A_5 = vector.load %arg3[%get3A_3, %get3A_4] : memref<512x1xf32, #tpu.memory_space<vmem>>, vector<512x1xf32>
    %slice3A = vector.extract_strided_slice %get3A_2 {offsets = [0, 0, 0], sizes = [1, 512, 128], strides = [1, 1, 1]} : vector<2x512x128xf32> to vector<1x512x128xf32>
    %squeeze3A = vector.shape_cast %slice3A : vector<1x512x128xf32> to vector<512x128xf32>
    %slice3A_6 = vector.extract_strided_slice %get3A_2 {offsets = [1, 0, 0], sizes = [1, 512, 128], strides = [1, 1, 1]} : vector<2x512x128xf32> to vector<1x512x128xf32>
    %squeeze3A_7 = vector.shape_cast %slice3A_6 : vector<1x512x128xf32> to vector<512x128xf32>
    %add3A = arith.addf %squeeze3A, %squeeze3A_7 : vector<512x128xf32>
    %get3A_8 = arith.constant 0 : index
    %get3A_9 = arith.constant 0 : index
    %get3A_10 = vector.load %arg2[%get3A_8, %get3A_9] : memref<512x128xf32, #tpu.memory_space<vmem>>, vector<512x128xf32>
    %add3A_11 = arith.addf %add3A, %get3A_10 : vector<512x128xf32>
    %mul3A = vector.broadcast %get3A_5 : vector<512x1xf32> to vector<512x128xf32>
    %mul3A_12 = arith.mulf %mul3A, %add3A_11 : vector<512x128xf32>
    %get3A_13 = arith.constant 0 : index
    %get3A_14 = arith.constant 0 : index
    %get3A_15 = vector.load %arg5[%get3A_13, %get3A_14] : memref<1x128xf32, #tpu.memory_space<vmem>>, vector<1x128xf32>
    %add3A_16 = vector.broadcast %get3A_15 : vector<1x128xf32> to vector<512x128xf32>
    %add3A_17 = arith.addf %mul3A_12, %add3A_16 : vector<512x128xf32>
    %get3A_18 = arith.constant 0 : index
    %get3A_19 = arith.constant 0 : index
    %get3A_20 = vector.load %arg4[%get3A_18, %get3A_19] : memref<1x128xf32, #tpu.memory_space<vmem>>, vector<1x128xf32>
    %mul3A_21 = arith.constant 0.999994993 : f32
    %mul3A_22 = vector.broadcast %mul3A_21 : f32 to vector<1x128xf32>
    %mul3A_23 = arith.mulf %get3A_20, %mul3A_22 : vector<1x128xf32>
    %mul3A_24 = vector.broadcast %mul3A_23 : vector<1x128xf32> to vector<512x128xf32>
    %mul3A_25 = arith.mulf %mul3A_24, %add3A_17 : vector<512x128xf32>
    %get3A_26 = arith.constant 0 : index
    %get3A_27 = arith.constant 0 : index
    %get3A_28 = vector.load %arg6[%get3A_26, %get3A_27] : memref<1x128xf32, #tpu.memory_space<vmem>>, vector<1x128xf32>
    %add3A_29 = vector.broadcast %get3A_28 : vector<1x128xf32> to vector<512x128xf32>
    %add3A_30 = arith.addf %mul3A_25, %add3A_29 : vector<512x128xf32>
    %max3A = arith.constant 0.000000e+00 : f32
    %max3A_31 = vector.broadcast %max3A : f32 to vector<512x128xf32>
    %max3A_32 = arith.maximumf %add3A_30, %max3A_31 : vector<512x128xf32>
    %get3A_33 = arith.constant 0 : index
    %get3A_34 = arith.constant 0 : index
    %get3A_35 = vector.load %arg8[%get3A_33, %get3A_34] : memref<512x128xf32, #tpu.memory_space<vmem>>, vector<512x128xf32>
    %add3A_36 = arith.addf %max3A_32, %get3A_35 : vector<512x128xf32>
    %swap3A = arith.constant 0 : index
    %swap3A_37 = arith.constant 0 : index
    %swap3A_38 = vector.load %arg9[%swap3A, %swap3A_37] : memref<512x128xf32, #tpu.memory_space<vmem>>, vector<512x128xf32>
    tpu.vector_store %arg9[%swap3A, %swap3A_37], %add3A_36 {strides = array<i32>} : memref<512x128xf32, #tpu.memory_space<vmem>>, vector<512x128xf32>,
    %get3A_39 = arith.constant 0 : index
    %get3A_40 = arith.constant 0 : index
    %get3A_41 = vector.load %arg3[%get3A_39, %get3A_40] : memref<512x1xf32, #tpu.memory_space<vmem>>, vector<512x1xf32>
    %get3A_42 = arith.constant 0 : index
    %get3A_43 = arith.constant 0 : index
    %get3A_44 = vector.load %arg7[%get3A_42, %get3A_43] : memref<128x128xf32, #tpu.memory_space<vmem>>, vector<128x128xf32>
    %dot_general3A = arith.constant dense<0.000000e+00> : vector<512x128xf32>
    %dot_general3A_45 = tpu.matmul %add3A_36, %get3A_44, %dot_general3A {dimension_numbers = #tpu.dot_dimension_numbers<[1], [0], [0], [1], [0, 0, 1, 1], [], []>, transpose_lhs_hint = false} : vector<512x128xf32>, vector<128x128xf32>, vector<512x128xf32> -> vector<512x128xf32>
    %mul3A_46 = vector.broadcast %get3A_41 : vector<512x1xf32> to vector<512x128xf32>
    %mul3A_47 = arith.mulf %mul3A_46, %dot_general3A_45 : vector<512x128xf32>
    %swap3A_48 = arith.constant 0 : index
    %swap3A_49 = arith.constant 0 : index
    %swap3A_50 = vector.load %arg10[%swap3A_48, %swap3A_49] : memref<512x128xf32, #tpu.memory_space<vmem>>, vector<512x128xf32>
    tpu.vector_store %arg10[%swap3A_48, %swap3A_49], %mul3A_47 {strides = array<i32>} : memref<512x128xf32, #tpu.memory_space<vmem>>, vector<512x128xf32>,
    return
  }
  func.func @transform_0(%arg0: i32) -> (i32, i32, i32) {
    %c0_i32 = arith.constant 0 : i32
    %c0_i32_0 = arith.constant 0 : i32
    %c0_i32_1 = arith.constant 0 : i32
    return %c0_i32, %arg0, %c0_i32_0 : i32, i32, i32
  }
  func.func @transform_1(%arg0: i32) -> (i32, i32) {
    %c0_i32 = arith.constant 0 : i32
    %c0_i32_0 = arith.constant 0 : i32
    return %arg0, %c0_i32 : i32, i32
  }
  func.func @transform_2(%arg0: i32) -> (i32, i32) {
    %c0_i32 = arith.constant 0 : i32
    %c0_i32_0 = arith.constant 0 : i32
    return %arg0, %c0_i32 : i32, i32
  }
  func.func @transform_3(%arg0: i32) -> (i32, i32) {
    %c0_i32 = arith.constant 0 : i32
    %c0_i32_0 = arith.constant 0 : i32
    %c0_i32_1 = arith.constant 0 : i32
    return %c0_i32, %c0_i32_0 : i32, i32
  }
  func.func @transform_4(%arg0: i32) -> (i32, i32) {
    %c0_i32 = arith.constant 0 : i32
    %c0_i32_0 = arith.constant 0 : i32
    %c0_i32_1 = arith.constant 0 : i32
    return %c0_i32, %c0_i32_0 : i32, i32
  }
  func.func @transform_5(%arg0: i32) -> (i32, i32) {
    %c0_i32 = arith.constant 0 : i32
    %c0_i32_0 = arith.constant 0 : i32
    %c0_i32_1 = arith.constant 0 : i32
    return %c0_i32, %c0_i32_0 : i32, i32
  }
  func.func @transform_6(%arg0: i32) -> (i32, i32) {
    %c0_i32 = arith.constant 0 : i32
    %c0_i32_0 = arith.constant 0 : i32
    %c0_i32_1 = arith.constant 0 : i32
    return %c0_i32, %c0_i32_0 : i32, i32
  }
  func.func @transform_7(%arg0: i32) -> (i32, i32) {
    %c0_i32 = arith.constant 0 : i32
    %c0_i32_0 = arith.constant 0 : i32
    return %arg0, %c0_i32 : i32, i32
  }
  func.func @transform_8(%arg0: i32) -> (i32, i32) {
    %c0_i32 = arith.constant 0 : i32
    %c0_i32_0 = arith.constant 0 : i32
    return %arg0, %c0_i32 : i32, i32
  }
  func.func @transform_9(%arg0: i32) -> (i32, i32) {
    %c0_i32 = arith.constant 0 : i32
    %c0_i32_0 = arith.constant 0 : i32
    return %arg0, %c0_i32 : i32, i32
  }
}

module attributes {stable_mosaic.version = 14 : i64} {
  func.func @_tc_final_body(%arg0: i32, %arg1: memref<2x512x128xf32, #tpu.memory_space<vmem>>, %arg2: memref<512x128xf32, #tpu.memory_space<vmem>>, %arg3: memref<512x1xf32, #tpu.memory_space<vmem>>, %arg4: memref<1x128xf32, #tpu.memory_space<vmem>>, %arg5: memref<1x128xf32, #tpu.memory_space<vmem>>, %arg6: memref<1x128xf32, #tpu.memory_space<vmem>>, %arg7: memref<512x128xf32, #tpu.memory_space<vmem>>, %arg8: memref<1x1x512xi32, #tpu.memory_space<vmem>>, %arg9: memref<128x128xf32, #tpu.memory_space<vmem>>, %arg10: memref<1x128xf32, #tpu.memory_space<vmem>>, %arg11: memref<128x128xf32, #tpu.memory_space<vmem>>, %arg12: memref<1x128xf32, #tpu.memory_space<vmem>>, %arg13: memref<128x1xf32, #tpu.memory_space<vmem>>, %arg14: memref<1x1xf32, #tpu.memory_space<vmem>>, %arg15: memref<64x1xf32, #tpu.memory_space<vmem>>, %arg16: memref<64x128xf32, #tpu.memory_space<vmem>>, %arg17: memref<64x1xf32, #tpu.memory_space<vmem>>) attributes {dimension_semantics = [#tpu.dimension_semantics<arbitrary>], iteration_bounds = array<i64: 20>, scalar_prefetch = 0 : i64, scratch_operands = 2 : i64, tpu.core_type = #tpu.core_type<tc>, window_params = [{transform_indices = @transform_0, window_bounds = array<i64: 2, 512, 128>}, {transform_indices = @transform_1, window_bounds = array<i64: 512, 128>}, {transform_indices = @transform_2, window_bounds = array<i64: 512, 1>}, {pipeline_mode = #tpu.pipeline_mode<synchronous>, transform_indices = @transform_3, window_bounds = array<i64: 1, 128>}, {pipeline_mode = #tpu.pipeline_mode<synchronous>, transform_indices = @transform_4, window_bounds = array<i64: 1, 128>}, {pipeline_mode = #tpu.pipeline_mode<synchronous>, transform_indices = @transform_5, window_bounds = array<i64: 1, 128>}, {transform_indices = @transform_6, window_bounds = array<i64: 512, 128>}, {transform_indices = @transform_7, window_bounds = array<i64: 1, 1, 512>}, {pipeline_mode = #tpu.pipeline_mode<synchronous>, transform_indices = @transform_8, window_bounds = array<i64: 128, 128>}, {pipeline_mode = #tpu.pipeline_mode<synchronous>, transform_indices = @transform_9, window_bounds = array<i64: 1, 128>}, {pipeline_mode = #tpu.pipeline_mode<synchronous>, transform_indices = @transform_10, window_bounds = array<i64: 128, 128>}, {pipeline_mode = #tpu.pipeline_mode<synchronous>, transform_indices = @transform_11, window_bounds = array<i64: 1, 128>}, {pipeline_mode = #tpu.pipeline_mode<synchronous>, transform_indices = @transform_12, window_bounds = array<i64: 128, 1>}, {pipeline_mode = #tpu.pipeline_mode<synchronous>, transform_indices = @transform_13, window_bounds = array<i64: 1, 1>}, {pipeline_mode = #tpu.pipeline_mode<synchronous>, transform_indices = @transform_14, window_bounds = array<i64: 64, 1>}]} {
    %eq3A = arith.constant 0 : i32
    %eq3A_0 = arith.cmpi eq, %arg0, %eq3A : i32
    %convert_element_type3A = arith.extui %eq3A_0 : i1 to i32
    %cond3A = arith.constant 0 : i32
    %cond3A_1 = arith.cmpi ne, %convert_element_type3A, %cond3A : i32
    scf.if %cond3A_1 {
      %broadcast_in_dim3A_69 = arith.constant 0.000000e+00 : f32
      %broadcast_in_dim3A_70 = vector.broadcast %broadcast_in_dim3A_69 : f32 to vector<64x128xf32>
      %swap3A_71 = arith.constant 0 : index
      %swap3A_72 = arith.constant 0 : index
      %swap3A_73 = vector.load %arg16[%swap3A_71, %swap3A_72] : memref<64x128xf32, #tpu.memory_space<vmem>>, vector<64x128xf32>
      tpu.vector_store %arg16[%swap3A_71, %swap3A_72], %broadcast_in_dim3A_70 {strides = array<i32>} : memref<64x128xf32, #tpu.memory_space<vmem>>, vector<64x128xf32>,
      %broadcast_in_dim3A_74 = arith.constant 0.000000e+00 : f32
      %broadcast_in_dim3A_75 = vector.broadcast %broadcast_in_dim3A_74 : f32 to vector<64x1xf32>
      %swap3A_76 = arith.constant 0 : index
      %swap3A_77 = arith.constant 0 : index
      %swap3A_78 = vector.load %arg17[%swap3A_76, %swap3A_77] : memref<64x1xf32, #tpu.memory_space<vmem>>, vector<64x1xf32>
      tpu.vector_store %arg17[%swap3A_76, %swap3A_77], %broadcast_in_dim3A_75 {strides = array<i32>} : memref<64x1xf32, #tpu.memory_space<vmem>>, vector<64x1xf32>,
    } else {
    }
    %get3A = arith.constant 0 : index
    %get3A_2 = arith.constant 0 : index
    %get3A_3 = arith.constant 0 : index
    %get3A_4 = vector.load %arg1[%get3A, %get3A_2, %get3A_3] : memref<2x512x128xf32, #tpu.memory_space<vmem>>, vector<2x512x128xf32>
    %get3A_5 = arith.constant 0 : index
    %get3A_6 = arith.constant 0 : index
    %get3A_7 = vector.load %arg3[%get3A_5, %get3A_6] : memref<512x1xf32, #tpu.memory_space<vmem>>, vector<512x1xf32>
    %slice3A = vector.extract_strided_slice %get3A_4 {offsets = [0, 0, 0], sizes = [1, 512, 128], strides = [1, 1, 1]} : vector<2x512x128xf32> to vector<1x512x128xf32>
    %squeeze3A = vector.shape_cast %slice3A : vector<1x512x128xf32> to vector<512x128xf32>
    %slice3A_8 = vector.extract_strided_slice %get3A_4 {offsets = [1, 0, 0], sizes = [1, 512, 128], strides = [1, 1, 1]} : vector<2x512x128xf32> to vector<1x512x128xf32>
    %squeeze3A_9 = vector.shape_cast %slice3A_8 : vector<1x512x128xf32> to vector<512x128xf32>
    %add3A = arith.addf %squeeze3A, %squeeze3A_9 : vector<512x128xf32>
    %get3A_10 = arith.constant 0 : index
    %get3A_11 = arith.constant 0 : index
    %get3A_12 = vector.load %arg2[%get3A_10, %get3A_11] : memref<512x128xf32, #tpu.memory_space<vmem>>, vector<512x128xf32>
    %add3A_13 = arith.addf %add3A, %get3A_12 : vector<512x128xf32>
    %mul3A = vector.broadcast %get3A_7 : vector<512x1xf32> to vector<512x128xf32>
    %mul3A_14 = arith.mulf %mul3A, %add3A_13 : vector<512x128xf32>
    %get3A_15 = arith.constant 0 : index
    %get3A_16 = arith.constant 0 : index
    %get3A_17 = vector.load %arg5[%get3A_15, %get3A_16] : memref<1x128xf32, #tpu.memory_space<vmem>>, vector<1x128xf32>
    %add3A_18 = vector.broadcast %get3A_17 : vector<1x128xf32> to vector<512x128xf32>
    %add3A_19 = arith.addf %mul3A_14, %add3A_18 : vector<512x128xf32>
    %get3A_20 = arith.constant 0 : index
    %get3A_21 = arith.constant 0 : index
    %get3A_22 = vector.load %arg4[%get3A_20, %get3A_21] : memref<1x128xf32, #tpu.memory_space<vmem>>, vector<1x128xf32>
    %mul3A_23 = arith.constant 0.999994993 : f32
    %mul3A_24 = vector.broadcast %mul3A_23 : f32 to vector<1x128xf32>
    %mul3A_25 = arith.mulf %get3A_22, %mul3A_24 : vector<1x128xf32>
    %mul3A_26 = vector.broadcast %mul3A_25 : vector<1x128xf32> to vector<512x128xf32>
    %mul3A_27 = arith.mulf %mul3A_26, %add3A_19 : vector<512x128xf32>
    %get3A_28 = arith.constant 0 : index
    %get3A_29 = arith.constant 0 : index
    %get3A_30 = vector.load %arg6[%get3A_28, %get3A_29] : memref<1x128xf32, #tpu.memory_space<vmem>>, vector<1x128xf32>
    %add3A_31 = vector.broadcast %get3A_30 : vector<1x128xf32> to vector<512x128xf32>
    %add3A_32 = arith.addf %mul3A_27, %add3A_31 : vector<512x128xf32>
    %max3A = arith.constant 0.000000e+00 : f32
    %max3A_33 = vector.broadcast %max3A : f32 to vector<512x128xf32>
    %max3A_34 = arith.maximumf %add3A_32, %max3A_33 : vector<512x128xf32>
    %get3A_35 = arith.constant 0 : index
    %get3A_36 = arith.constant 0 : index
    %get3A_37 = vector.load %arg7[%get3A_35, %get3A_36] : memref<512x128xf32, #tpu.memory_space<vmem>>, vector<512x128xf32>
    %add3A_38 = arith.addf %max3A_34, %get3A_37 : vector<512x128xf32>
    %get3A_39 = arith.constant 0 : index
    %get3A_40 = arith.constant 0 : index
    %get3A_41 = arith.constant 0 : index
    %get3A_42 = vector.load %arg8[%get3A_39, %get3A_40, %get3A_41] : memref<1x1x512xi32, #tpu.memory_space<vmem>>, vector<1x1x512xi32>
    %get3A_43 = vector.shape_cast %get3A_42 : vector<1x1x512xi32> to vector<512xi32>
    %iota3A = tpu.iota {dimensions = array<i32: 0>} : vector<64x512xi32>
    %broadcast_in_dim3A = vector.shape_cast %get3A_43 : vector<512xi32> to vector<1x512xi32>
    %eq3A_44 = vector.broadcast %broadcast_in_dim3A : vector<1x512xi32> to vector<64x512xi32>
    %eq3A_45 = arith.cmpi eq, %eq3A_44, %iota3A : vector<64x512xi32>
    %convert_element_type3A_46 = arith.extui %eq3A_45 : vector<64x512xi1> to vector<64x512xi32>
    %convert_element_type3A_47 = arith.sitofp %convert_element_type3A_46 : vector<64x512xi32> to vector<64x512xf32>
    %get3A_48 = arith.constant 0 : index
    %get3A_49 = arith.constant 0 : index
    %get3A_50 = vector.load %arg16[%get3A_48, %get3A_49] : memref<64x128xf32, #tpu.memory_space<vmem>>, vector<64x128xf32>
    %dot_general3A = arith.constant dense<0.000000e+00> : vector<64x128xf32>
    %dot_general3A_51 = tpu.matmul %convert_element_type3A_47, %add3A_38, %dot_general3A {dimension_numbers = #tpu.dot_dimension_numbers<[1], [0], [0], [1], [0, 0, 1, 1], [], []>, transpose_lhs_hint = false} : vector<64x512xf32>, vector<512x128xf32>, vector<64x128xf32> -> vector<64x128xf32>
    %add3A_52 = arith.addf %get3A_50, %dot_general3A_51 : vector<64x128xf32>
    %swap3A = arith.constant 0 : index
    %swap3A_53 = arith.constant 0 : index
    %swap3A_54 = vector.load %arg16[%swap3A, %swap3A_53] : memref<64x128xf32, #tpu.memory_space<vmem>>, vector<64x128xf32>
    tpu.vector_store %arg16[%swap3A, %swap3A_53], %add3A_52 {strides = array<i32>} : memref<64x128xf32, #tpu.memory_space<vmem>>, vector<64x128xf32>,
    %get3A_55 = arith.constant 0 : index
    %get3A_56 = arith.constant 0 : index
    %get3A_57 = vector.load %arg17[%get3A_55, %get3A_56] : memref<64x1xf32, #tpu.memory_space<vmem>>, vector<64x1xf32>
    %reduce_sum3A = arith.constant dense<0.000000e+00> : vector<64xf32>
    %reduce_sum3A_58 = vector.multi_reduction <add>, %convert_element_type3A_47, %reduce_sum3A [1] : vector<64x512xf32> to vector<64xf32>
    %broadcast_in_dim3A_59 = vector.shape_cast %reduce_sum3A_58 : vector<64xf32> to vector<64x1xf32>
    %add3A_60 = arith.addf %get3A_57, %broadcast_in_dim3A_59 : vector<64x1xf32>
    %swap3A_61 = arith.constant 0 : index
    %swap3A_62 = arith.constant 0 : index
    %swap3A_63 = vector.load %arg17[%swap3A_61, %swap3A_62] : memref<64x1xf32, #tpu.memory_space<vmem>>, vector<64x1xf32>
    tpu.vector_store %arg17[%swap3A_61, %swap3A_62], %add3A_60 {strides = array<i32>} : memref<64x1xf32, #tpu.memory_space<vmem>>, vector<64x1xf32>,
    %eq3A_64 = arith.constant 19 : i32
    %eq3A_65 = arith.cmpi eq, %arg0, %eq3A_64 : i32
    %convert_element_type3A_66 = arith.extui %eq3A_65 : i1 to i32
    %cond3A_67 = arith.constant 0 : i32
    %cond3A_68 = arith.cmpi ne, %convert_element_type3A_66, %cond3A_67 : i32
    scf.if %cond3A_68 {
      %get3A_69 = arith.constant 0 : index
      %get3A_70 = arith.constant 0 : index
      %get3A_71 = vector.load %arg16[%get3A_69, %get3A_70] : memref<64x128xf32, #tpu.memory_space<vmem>>, vector<64x128xf32>
      %get3A_72 = arith.constant 0 : index
      %get3A_73 = arith.constant 0 : index
      %get3A_74 = vector.load %arg17[%get3A_72, %get3A_73] : memref<64x1xf32, #tpu.memory_space<vmem>>, vector<64x1xf32>
      %max3A_75 = arith.constant 1.000000e+00 : f32
      %max3A_76 = vector.broadcast %max3A_75 : f32 to vector<64x1xf32>
      %max3A_77 = arith.maximumf %get3A_74, %max3A_76 : vector<64x1xf32>
      %div3A = vector.broadcast %max3A_77 : vector<64x1xf32> to vector<64x128xf32>
      %div3A_78 = arith.divf %get3A_71, %div3A : vector<64x128xf32>
      %get3A_79 = arith.constant 0 : index
      %get3A_80 = arith.constant 0 : index
      %get3A_81 = vector.load %arg9[%get3A_79, %get3A_80] : memref<128x128xf32, #tpu.memory_space<vmem>>, vector<128x128xf32>
      %dot_general3A_82 = arith.constant dense<0.000000e+00> : vector<64x128xf32>
      %dot_general3A_83 = tpu.matmul %div3A_78, %get3A_81, %dot_general3A_82 {dimension_numbers = #tpu.dot_dimension_numbers<[1], [0], [0], [1], [0, 0, 1, 1], [], []>, transpose_lhs_hint = false} : vector<64x128xf32>, vector<128x128xf32>, vector<64x128xf32> -> vector<64x128xf32>
      %get3A_84 = arith.constant 0 : index
      %get3A_85 = arith.constant 0 : index
      %get3A_86 = vector.load %arg10[%get3A_84, %get3A_85] : memref<1x128xf32, #tpu.memory_space<vmem>>, vector<1x128xf32>
      %add3A_87 = vector.broadcast %get3A_86 : vector<1x128xf32> to vector<64x128xf32>
      %add3A_88 = arith.addf %dot_general3A_83, %add3A_87 : vector<64x128xf32>
      %tanh3A = math.tanh %add3A_88 : vector<64x128xf32>
      %get3A_89 = arith.constant 0 : index
      %get3A_90 = arith.constant 0 : index
      %get3A_91 = vector.load %arg11[%get3A_89, %get3A_90] : memref<128x128xf32, #tpu.memory_space<vmem>>, vector<128x128xf32>
      %dot_general3A_92 = arith.constant dense<0.000000e+00> : vector<64x128xf32>
      %dot_general3A_93 = tpu.matmul %tanh3A, %get3A_91, %dot_general3A_92 {dimension_numbers = #tpu.dot_dimension_numbers<[1], [0], [0], [1], [0, 0, 1, 1], [], []>, transpose_lhs_hint = false} : vector<64x128xf32>, vector<128x128xf32>, vector<64x128xf32> -> vector<64x128xf32>
      %get3A_94 = arith.constant 0 : index
      %get3A_95 = arith.constant 0 : index
      %get3A_96 = vector.load %arg12[%get3A_94, %get3A_95] : memref<1x128xf32, #tpu.memory_space<vmem>>, vector<1x128xf32>
      %add3A_97 = vector.broadcast %get3A_96 : vector<1x128xf32> to vector<64x128xf32>
      %add3A_98 = arith.addf %dot_general3A_93, %add3A_97 : vector<64x128xf32>
      %tanh3A_99 = math.tanh %add3A_98 : vector<64x128xf32>
      %get3A_100 = arith.constant 0 : index
      %get3A_101 = arith.constant 0 : index
      %get3A_102 = vector.load %arg13[%get3A_100, %get3A_101] : memref<128x1xf32, #tpu.memory_space<vmem>>, vector<128x1xf32>
      %dot_general3A_103 = arith.constant dense<0.000000e+00> : vector<64x1xf32>
      %dot_general3A_104 = tpu.matmul %tanh3A_99, %get3A_102, %dot_general3A_103 {dimension_numbers = #tpu.dot_dimension_numbers<[1], [0], [0], [1], [0, 0, 1, 1], [], []>, transpose_lhs_hint = false} : vector<64x128xf32>, vector<128x1xf32>, vector<64x1xf32> -> vector<64x1xf32>
      %get3A_105 = arith.constant 0 : index
      %get3A_106 = arith.constant 0 : index
      %get3A_107 = vector.load %arg14[%get3A_105, %get3A_106] : memref<1x1xf32, #tpu.memory_space<vmem>>, vector<1x1xf32>
      %add3A_108 = vector.broadcast %get3A_107 : vector<1x1xf32> to vector<64x1xf32>
      %add3A_109 = arith.addf %dot_general3A_104, %add3A_108 : vector<64x1xf32>
      %swap3A_110 = arith.constant 0 : index
      %swap3A_111 = arith.constant 0 : index
      %swap3A_112 = vector.load %arg15[%swap3A_110, %swap3A_111] : memref<64x1xf32, #tpu.memory_space<vmem>>, vector<64x1xf32>
      tpu.vector_store %arg15[%swap3A_110, %swap3A_111], %add3A_109 {strides = array<i32>} : memref<64x1xf32, #tpu.memory_space<vmem>>, vector<64x1xf32>,
    } else {
    }
    return
  }
  func.func @transform_0(%arg0: i32) -> (i32, i32, i32) {
    %c0_i32 = arith.constant 0 : i32
    %c0_i32_0 = arith.constant 0 : i32
    %c0_i32_1 = arith.constant 0 : i32
    return %c0_i32, %arg0, %c0_i32_0 : i32, i32, i32
  }
  func.func @transform_1(%arg0: i32) -> (i32, i32) {
    %c0_i32 = arith.constant 0 : i32
    %c0_i32_0 = arith.constant 0 : i32
    return %arg0, %c0_i32 : i32, i32
  }
  func.func @transform_2(%arg0: i32) -> (i32, i32) {
    %c0_i32 = arith.constant 0 : i32
    %c0_i32_0 = arith.constant 0 : i32
    return %arg0, %c0_i32 : i32, i32
  }
  func.func @transform_3(%arg0: i32) -> (i32, i32) {
    %c0_i32 = arith.constant 0 : i32
    %c0_i32_0 = arith.constant 0 : i32
    %c0_i32_1 = arith.constant 0 : i32
    return %c0_i32, %c0_i32_0 : i32, i32
  }
  func.func @transform_4(%arg0: i32) -> (i32, i32) {
    %c0_i32 = arith.constant 0 : i32
    %c0_i32_0 = arith.constant 0 : i32
    %c0_i32_1 = arith.constant 0 : i32
    return %c0_i32, %c0_i32_0 : i32, i32
  }
  func.func @transform_5(%arg0: i32) -> (i32, i32) {
    %c0_i32 = arith.constant 0 : i32
    %c0_i32_0 = arith.constant 0 : i32
    %c0_i32_1 = arith.constant 0 : i32
    return %c0_i32, %c0_i32_0 : i32, i32
  }
  func.func @transform_6(%arg0: i32) -> (i32, i32) {
    %c0_i32 = arith.constant 0 : i32
    %c0_i32_0 = arith.constant 0 : i32
    return %arg0, %c0_i32 : i32, i32
  }
  func.func @transform_7(%arg0: i32) -> (i32, i32, i32) {
    %c0_i32 = arith.constant 0 : i32
    %c0_i32_0 = arith.constant 0 : i32
    %c0_i32_1 = arith.constant 0 : i32
    return %arg0, %c0_i32, %c0_i32_0 : i32, i32, i32
  }
  func.func @transform_8(%arg0: i32) -> (i32, i32) {
    %c0_i32 = arith.constant 0 : i32
    %c0_i32_0 = arith.constant 0 : i32
    %c0_i32_1 = arith.constant 0 : i32
    return %c0_i32, %c0_i32_0 : i32, i32
  }
  func.func @transform_9(%arg0: i32) -> (i32, i32) {
    %c0_i32 = arith.constant 0 : i32
    %c0_i32_0 = arith.constant 0 : i32
    %c0_i32_1 = arith.constant 0 : i32
    return %c0_i32, %c0_i32_0 : i32, i32
  }
  func.func @transform_10(%arg0: i32) -> (i32, i32) {
    %c0_i32 = arith.constant 0 : i32
    %c0_i32_0 = arith.constant 0 : i32
    %c0_i32_1 = arith.constant 0 : i32
    return %c0_i32, %c0_i32_0 : i32, i32
  }
  func.func @transform_11(%arg0: i32) -> (i32, i32) {
    %c0_i32 = arith.constant 0 : i32
    %c0_i32_0 = arith.constant 0 : i32
    %c0_i32_1 = arith.constant 0 : i32
    return %c0_i32, %c0_i32_0 : i32, i32
  }
  func.func @transform_12(%arg0: i32) -> (i32, i32) {
    %c0_i32 = arith.constant 0 : i32
    %c0_i32_0 = arith.constant 0 : i32
    %c0_i32_1 = arith.constant 0 : i32
    return %c0_i32, %c0_i32_0 : i32, i32
  }
  func.func @transform_13(%arg0: i32) -> (i32, i32) {
    %c0_i32 = arith.constant 0 : i32
    %c0_i32_0 = arith.constant 0 : i32
    %c0_i32_1 = arith.constant 0 : i32
    return %c0_i32, %c0_i32_0 : i32, i32
  }
  func.func @transform_14(%arg0: i32) -> (i32, i32) {
    %c0_i32 = arith.constant 0 : i32
    %c0_i32_0 = arith.constant 0 : i32
    %c0_i32_1 = arith.constant 0 : i32
    return %c0_i32, %c0_i32_0 : i32, i32
  }
}

</mosaic_0001>

<sc_bundles>
// kernel: kernel.10.cloned.1.call-start
scs
__scs_entry_jumppad:
0x0: {  	(pc) =	sbr.rel $0x88, $3  }
0x1: {  	(tag) =	ssettag $0x0;
	lr =	simm.s32 $0x1  }
0x2: {  	[smem:$0x3F8C] =	sst lr;
	_ =	strace $0xD0000000  }
0x3: {  	_ = 	snop  }
0x4: {  	_ = 	snop  }
0x5: {  	_ = 	snop  }
0x6: {  	_ = 	snop  }
0x7: {  	_ = 	snop  }
__scs_overlays_trampoline_lowered:
0x8: {  	[smem:$0x3F9B] =	sst s0  }
0x9: {  	[smem:$0x3F9C] =	sst s1  }
0xa: {  	[smem:$0x3F9D] =	sst s2  }
0xb: {  	[smem:$0x3F9E] =	sst s3  }
0xc: {  	[smem:$0x3F9F] =	sst s4  }
0xd: {  	[smem:$0x3FA0] =	sst s5  }
0xe: {  	[smem:$0x3FA1] =	sst s6  }
0xf: {  	[smem:$0x3FA2] =	sst s7  }
0x10: {  	[smem:$0x3FA3] =	sst s8  }
0x11: {  	[smem:$0x3FA4] =	sst s9;
	s0 =	simm.s32 @!p0 $0x0  }
0x12: {  	s1 =	sld [smem:$0x3F8A];
	s0 =	simm.s32 @p0 $0x1  }
0x13: {  	[smem:$0x3FA5] =	sst s0;
	s0 =	simm.s32 @!p1 $0x0  }
0x14: {  	s2 =	sld [smem:$0x3F89];
	s0 =	simm.s32 @p1 $0x1  }
0x15: {  	[smem:$0x3FA6] =	sst s0;
	s0 =	simm.s32 @!p2 $0x0  }
0x16: {  	s3 =	sld [smem:$0x3FDB];
	s0 =	simm.s32 @p2 $0x1  }
0x17: {  	s4 =	simm.s32 $0x1BF5;
	[smem:$0x3FA8] =	sst s0  }
0x18: {  	s0 =	sld [smem:$0x3F8B];
	_ =	swait.ge [sflag:s4], $0x0  }
0x19: {  	s7 =	sld [smem:$0x3F8C]  }
0x1a: {  	s8 =	sadd.s32 $0xFFFFE003, lr  }
0x1b: {  	s9 =	sadd.s32 $0xFFFFFEF7, lr;
	s5 =	simm.s32 $0xFFFFFFFF;
	p2 =	slt.u32 s8, $0xFFFFF086  }
0x1c: {  	p1 =	slt.u32 s9, $0xF7A;
	s5 =	simm.s32 @!p2 $0x0  }
0x1d: {  	s5 =	simm.s32 @p1 $0x1;
	p0 =	seq.s32 s7, s2  }
0x1e: {  	s7 =	smul.u32 @!p0 $0xF7A, s2;
	p2 =	seq.s32 @!p0 s5, $0x0  }
0x1f: {  	s9 =	smul.u32 $0xF7A, s1;
	s8 =	simm.s32 @!p0 $0x1BF5;
	p2 =	por !p2, p0  }
0x20: {  	[sflag:s8] =	ssyncset.s32 @!p0 $0xFFFFF086;
	s6 =	sadd.s32 @!p0 s3, s7;
	s7 =	simm.s32 @!p0 $0x108  }
0x21: {  	s3 =	sadd.s32 s3, s9;
	s6 =	sadd.s32 @!p0 $0x88, s6;
	s7 =	simm.s32 @p2 $0x1082  }
0x22: {  	[simem:s7], [sflag:s8] =	dma.local @!p0 [hbm:s6], $0xF7A  }
0x23: {  	s9 =	sor.u32 $0xD0000000, s2;
	s6 =	simm.s32 $0x108;
	_ =	swait.ge @!p0 [sflag:s8], $0x0  }
0x24: {  	s3 =	sadd.s32 $0x88, s3;
	s6 =	simm.s32 @!p1 $0x1082;
	[sflag:s4] =	ssyncset.s32 $0xFFFFF086  }
0x25: {  	[simem:s6], [sflag:s4] =	dma.local [hbm:s3], $0xF7A  }
0x26: {  	[smem:$0x3F8C] =	sst s1;
	(tag) =	ssettag s2;
	_ =	strace s9  }
0x27: {  	s1 =	sld [smem:$0x3F9C]  }
0x28: {  	s2 =	sld [smem:$0x3F9D]  }
0x29: {  	s4 =	sld [smem:$0x3F9F]  }
0x2a: {  	p0 =	seq.s32 s5, $0x0;
	s5 =	sld [smem:$0x3FA0]  }
0x2b: {  	s6 =	sld [smem:$0x3FA1]  }
0x2c: {  	s7 =	sld [smem:$0x3FA2]  }
0x2d: {  	s3 =	simm.s32 $0x108;
	s8 =	sld [smem:$0x3FA3]  }
0x2e: {  	s3 =	simm.s32 @!p0 $0x1082;
	s9 =	sld [smem:$0x3FA4]  }
0x2f: {  	lr =	sadd.s32 s0, s3;
	s0 =	sld [smem:$0x3F9B]  }
0x30: {  	s3 =	sld [smem:$0x3F9E]  }
0x31: {  	[smem:$0x3FA7] =	sst s10  }
0x32: {  	s10 =	sld [smem:$0x3FA5];
	_ =	sdelay $0x3  }
0x33: {  	p0 =	seq.s32 s10, $0x1;
	s10 =	sld [smem:$0x3FA7];
	_ =	sdelay $0x3  }
0x34: {  	[smem:$0x3FA7] =	sst s10  }
0x35: {  	s10 =	sld [smem:$0x3FA6];
	_ =	sdelay $0x3  }
0x36: {  	p1 =	seq.s32 s10, $0x1;
	s10 =	sld [smem:$0x3FA7];
	_ =	sdelay $0x3  }
0x37: {  	[smem:$0x3FA7] =	sst s10  }
0x38: {  	s10 =	sld [smem:$0x3FA8]  }
0x39: {  	_ = 	snop;
	(pc) =	sbr.ind lr, $3  }
0x3a: {  	_ = 	snop  }
0x3b: {  	_ = 	snop  }
0x3c: {  	p2 =	seq.s32 s10, $0x1;
	s10 =	sld [smem:$0x3FA7]  }
0x3d: {  	_ =	shalt  }
0x3e: {  	_ =	shalt  }
0x3f: {  	_ =	shalt  }
0x40: {  	_ =	shalt  }
0x41: {  	_ =	shalt  }
0x42: {  	_ =	shalt  }
0x43: {  	_ =	shalt  }
0x44: {  	_ =	shalt  }
0x45: {  	_ =	shalt  }
0x46: {  	_ =	shalt  }
0x47: {  	_ =	shalt  }
0x48: {  	_ =	shalt  }
0x49: {  	_ =	shalt  }
0x4a: {  	_ =	shalt  }
0x4b: {  	_ =	shalt  }
0x4c: {  	_ =	shalt  }
0x4d: {  	_ =	shalt  }
0x4e: {  	_ =	shalt  }
0x4f: {  	_ =	shalt  }
0x50: {  	_ =	shalt  }
0x51: {  	_ =	shalt  }
0x52: {  	_ =	shalt  }
0x53: {  	_ =	shalt  }
0x54: {  	_ =	shalt  }
0x55: {  	_ =	shalt  }
0x56: {  	_ =	shalt  }
0x57: {  	_ =	shalt  }
0x58: {  	_ =	shalt  }
0x59: {  	_ =	shalt  }
0x5a: {  	_ =	shalt  }
0x5b: {  	_ =	shalt  }
0x5c: {  	_ =	shalt  }
0x5d: {  	_ =	shalt  }
0x5e: {  	_ =	shalt  }
0x5f: {  	_ =	shalt  }
0x60: {  	_ =	shalt  }
0x61: {  	_ =	shalt  }
0x62: {  	_ =	shalt  }
0x63: {  	_ =	shalt  }
0x64: {  	_ =	shalt  }
0x65: {  	_ =	shalt  }
0x66: {  	_ =	shalt  }
0x67: {  	_ =	shalt  }
0x68: {  	_ =	shalt  }
0x69: {  	_ =	shalt  }
0x6a: {  	_ =	shalt  }
0x6b: {  	_ =	shalt  }
0x6c: {  	_ =	shalt  }
0x6d: {  	_ =	shalt  }
0x6e: {  	_ =	shalt  }
0x6f: {  	_ =	shalt  }
0x70: {  	_ =	shalt  }
0x71: {  	_ =	shalt  }
0x72: {  	_ =	shalt  }
0x73: {  	_ =	shalt  }
0x74: {  	_ =	shalt  }
0x75: {  	_ =	shalt  }
0x76: {  	_ =	shalt  }
0x77: {  	_ =	shalt  }
0x78: {  	_ =	shalt  }
0x79: {  	_ =	shalt  }
0x7a: {  	_ =	shalt  }
0x7b: {  	_ =	shalt  }
0x7c: {  	_ =	shalt  }
0x7d: {  	_ =	shalt  }
0x7e: {  	_ =	shalt  }
0x7f: {  	_ =	shalt  }
0x80: {  	_ =	shalt  }
0x81: {  	_ =	shalt  }
0x82: {  	_ =	shalt  }
0x83: {  	_ =	shalt  }
0x84: {  	_ =	shalt  }
0x85: {  	_ =	shalt  }
0x86: {  	_ =	shalt  }
0x87: {  	_ =	shalt  }
.Lfunc_end0:
.L_simem_size_0:
called_computation_lowered:
.L_overlay_start_0:
0x88: {  	s2 =	sld [smem:$0x3FD9]  }
0x89: {  	s3 =	sld [smem:$0x3FFE];
	_ =	sdelay $0x1  }
0x8a: {  	s1 =	srdreg.scid  }
0x8b: {  	s0 =	sand.u32 $0x1, s1  }
0x8c: {  	s16 =	sshll.u32 s0, $0xA;
	s2 =	sadd.s32 s3, s2  }
0x8d: {  	s2 =	sadd.s32 s2, s16  }
0x8e: {  	[smem:$0x3FB3] =	sst s2  }
0x8f: {  	_ = 	snop  }
0x90: {  	(tm) =	ssettm $0x1  }
0x91: {  	s17 =	sld [smem:$0x3FFB];
	_ =	sdelay $0x3  }
0x92: {  	_ =	strace s17  }
0x93: {  	s2 =	sld [smem:$0x3FFC];
	_ =	sdelay $0x3  }
0x94: {  	_ =	strace s2  }
0x95: {  	s2 =	sld [smem:$0x3FFD];
	_ =	sdelay $0x3  }
0x96: {  	_ =	strace s2  }
0x97: {  	_ =	strace $0x8FFFFFFF  }
0x98: {  	s18 =	sld [smem:$0x3FDB];
	_ =	sdelay $0x1  }
0x99: {  	s19 =	simm.s32 $_scs_section_size  }
0x9a: {  	s4 =	simm.s32 $_size__tile_overlayer_lowered;
	s5 =	simm.s32 $_tile_overlayer_lowered  }
0x9b: {  	s22 =	simm.s32 $0x1BFF;
	s21 =	sshll.u32 s5, $0x1;
	s2 =	sadd.s32 s19, s18  }
0x9c: {  	s6 =	simm.s32 $0x0;
	s20 =	sshll.u32 s4, $0x1;
	s4 =	sadd.s32 s21, s2  }
0x9d: {  	[timem:s6], [sflag:s22] =	dma.local [hbm:s4], s20  }
0x9e: {  	_ =	swait.ge [sflag:s22], s20  }
0x9f: {  	s3 =	ssub.s32 $0x0, s20;
	[sflag:s22] =	ssyncset.done $0x0  }
0xa0: {  	[sflag:s22] =	ssyncadd.s32 s3;
	_ =	sdelay $0x1  }
0xa1: {  	s23 =	simm.s32 $0x1B8B  }
0xa2: {  	_ =	swait.ge [sflag:s23], $0x1  }
0xa3: {  	[sflag:s23] =	ssyncset.done $0x0  }
0xa4: {  	s25 =	simm.s32 $0x1B8E;
	s24 =	sld [smem:$0x3FFE];
	[sflag:s23] =	ssyncadd.s32 $0xFFFFFFFF  }
0xa5: {  	s26 =	simm.s32 $execute0_lowered;
	[smem:$0x3FD2] =	sst s25  }
0xa6: {  	s4 =	sshll.u32 s26, $0x1;
	_ =	strace $0x80000046;
	[dreg:$0x1] =	wrdreg $0xFFFFFFFF  }
0xa7: {  	s28 =	simm.s32 $_size_execute0_lowered;
	s2 =	sadd.s32 s2, s4;
	[dreg:$0x0] =	wrdreg $0x0  }
0xa8: {  	s4 =	sshll.u32 s28, $0x1;
	[dreg:$0x2] =	wrdreg s2  }
0xa9: {  	[dreg:$0x3] =	wrdreg s4  }
0xaa: {  	[dreg:$0x4] =	wrdreg $0xC0  }
0xab: {  	_ =	task [dreg:s6], $0x5FFFF  }
0xac: {  	[dreg:$0x1] =	wrdreg $0xFFFFFFFF  }
0xad: {  	[dreg:$0x0] =	wrdreg $0x60  }
0xae: {  	[dreg:$0x2] =	wrdreg s24  }
0xaf: {  	[dreg:$0x3] =	wrdreg $0x68000  }
0xb0: {  	[dreg:$0x4] =	wrdreg $0x9  }
0xb1: {  	_ =	task.clear_ibuf [dreg:s6], $0x5FFFF;
	_ =	strace $0x90000046  }
0xb2: {  	s29 =	simm.s32 $0x9;
	_ =	strace $0x80000048  }
0xb3: {  	_ =	swait.ge [sflag:s29], $0x1  }
0xb4: {  	[sflag:s29] =	ssyncadd.s32 $0xFFFFFFFF  }
0xb5: {  	_ =	strace $0x90000048  }
0xb6: {  	_ =	sfence  }
0xb7: {  	s30 =	sld [smem:$0x0];
	_ =	sdelay $0x2  }
0xb8: {  	s31 =	sshll.u32 s1, $0xD;
	s1 =	sshrl.u32 s1, $0x2  }
0xb9: {  	s3 =	sand.u32 $0x4000, s31;
	s1 =	sadd.s32 s1, s30  }
0xba: {  	s0 =	sor.u32 s3, s0;
	s1 =	sshll.u32 s1, $0x11  }
0xbb: {  	s0 =	sor.u32 s1, s0  }
0xbc: {  	s0 =	sadd.s32 $0x8F2B, s0  }
0xbd: {  	[sflag:s0] =	ssyncadd.remote.s32 $0x1  }
0xbe: {  	_ =	sfence.sel $0xFFFF  }
0xbf: {  	[dreg:$0x0] =	wrdreg $0xFFFFFFFF;
	(pc) =	sbr.abs _section_cstart, $3  }
0xc0: {  	[dreg:$0x1] =	wrdreg $0xFFFFFFFF  }
0xc1: {  	_ =	task.clear_ibuf [dreg:s6], $0x2FFFF;
	_ =	strace $0x9FFFFFFF  }
0xc2: {  	(tm) =	ssettm $0x7FFFFFFF  }
0xc3: {  	_ =	shalt  }
tec
execute0_lowered:
.L_overlay_start_1:
0x0: {  	(tag) =	ssettag $0x1  }
0x1: {  	s7 =	rddreg [dreg:$0x0]  }
0x2: {  	s0 =	srdreg.scid;
	s2 =	rddreg [dreg:$0x1]  }
0x3: {  	s3 =	simm.s32 $0x0;
	s12 =	simm.s32 $0x2800;
	s6 =	sand.u32 $0x1, s0  }
0x4: {  	s13 =	simm.s32 $0x80;
	s0 =	stileid.u32;
	s5 =	smul.u32 $0x140000, s6  }
0x5: {  	s14 =	simm.s32 $0x0;
	[smem:$0x7FF] =	sst s3;
	s8 =	smul.u32 $0x14000, s0  }
0x6: {  	s1 =	sshll.u32 s6, $0x4;
	s10 =	smul.u32 $0x50000, s0;
	s6 =	ssub.s32 $0x2, s6  }
0x7: {  	s31 =	sshll.u32 s0, $0x6;
	s1 =	sor.u32 s0, s1;
	s30 =	sshrl.u32 s6, $0x1  }
0x8: {  	s4 =	smul.u32 $0x500, s1;
	s1 =	rddreg [dreg:$0x2];
	_ =	strace $0x80000047  }
0x9: {  	s8 =	sadd.s32 s8, s5;
	s5 =	sadd.s32 $0x10A00, s7;
	s10 =	sshrl.u32 s10, $0x2  }
0xa: {  	s11 =	ssub.s32 s6, s30;
	s6 =	sor.u32 $0x1C01, s31;
	s8 =	sshrl.u32 s8, $0x3  }
0xb: {  	s10 =	sadd.s32 s10, s2;
	s9 =	sadd.s32 s4, s7;
	s4 =	sadd.s32 $0xE200, s7  }
0xc: {  	s8 =	sadd.s32 s8, s7;
	s10 =	sshrl.u32 s10, $0x3;
	s7 =	sadd.s32 $0x4200, s9  }
0xd: {  	s8 =	sadd.s32 $0x11200, s8;
	s9 =	smax.u32 s11, $0x1;
	s11 =	simm.s32 $0x1  }
.LBB2_1:
0xe: {  	[spmem:s10], [sflag:s6] =	dma.local [hbm:s4], $0x2800  }
0xf: {  	_ =	swait.ge [sflag:s11], $0x2800  }
0x10: {  	[sflag:s11] =	ssyncset.done $0x0  }
0x11: {  	[sflag:s11] =	ssyncadd.s32 $0xFFFFD800  }
0x12: {  	[tilespmem:s3], [sflag:$0x1] =	stream.linear.gather [hbm4b:s7+s3], $0x2780, $0x38;
	[tilespmem:$0x1A800] =	vst v63  }
0x13: {  	_ =	swait.ge [sflag:s11], $0x2780  }
0x14: {  	[sflag:s11] =	ssyncset.done $0x0  }
0x15: {  	[sflag:s11] =	ssyncadd.s32 $0xFFFFD880  }
0x16: {  	[tilespmem:s12], [sflag:$0x1] =	stream.linear.gather [hbm4b:s5+s3], $0x4000, $0x38;
	[tilespmem:$0x1A800] =	vst v63  }
0x17: {  	_ =	swait.ge [sflag:s11], $0x4000  }
0x18: {  	[sflag:s11] =	ssyncset.done $0x0  }
0x19: {  	[sflag:s11] =	ssyncadd.s32 $0xFFFFC000  }
0x1a: {  	s15 =	simm.s32 $0x0;
	[bflag:$0x0] =	sbarrier.arrive $0xFFFF  }
0x1b: {  	[spmem:s2] =	stream.indirect.scatter.add.f32 [tilespmem:s12], [sflag:$0x1], $0x80, s15, s13, $0xb8;
	[tilespmem:$0x1A800] =	vst v63  }
0x1c: {  	_ =	swait.ge [sflag:s11], $0x4000  }
0x1d: {  	s15 =	simm.s32 $0x200;
	[sflag:s11] =	ssyncset.done $0x0  }
.LBB2_2:
0x1e: {  	s16 =	sshra.s32 s15, $0x2;
	[sflag:s11] =	ssyncadd.s32 $0xFFFFC000;
	p0 =	sne.s32 s15, $0x9C00  }
0x1f: {  	[spmem:s2] =	stream.indirect.scatter.add.f32 [tilespmem:s12], [sflag:$0x1], $0x80, s16, s13, $0xb8;
	[tilespmem:$0x1A800] =	vst v63  }
.Ltmp0:
0x20: {  	_ = 	snop;
	(pc) =	sbr.rel @p0 .LBB2_2-.Ltmp0, $4  }
0x21: {  	_ = 	snop  }
0x22: {  	s15 =	sadd.s32 $0x200, s15  }
0x23: {  	_ =	swait.ge [sflag:s11], $0x4000  }
0x24: {  	[sflag:s11] =	ssyncset.done $0x0  }
0x25: {  	s14 =	sadd.s32 $0x1, s14  }
0x26: {  	[sflag:s11] =	ssyncadd.s32 $0xFFFFC000;
	p0 =	sne.s32 s14, s9  }
.Ltmp1:
0x27: {  	[bflag:$0x0] =	sbarrier.arrive $0xFFFF;
	(pc) =	sbr.rel @p0 .LBB2_1-.Ltmp1, $4  }
0x28: {  	[hbm:s8], [sflag:s6] =	dma.local [spmem:s10], $0x2800  }
0x29: {  	_ =	swait.ge [sflag:s11], $0x2800  }
0x2a: {  	[sflag:s11] =	ssyncset.done $0x0  }
0x2b: {  	[sflag:s11] =	ssyncadd.s32 $0xFFFFD800  }
0x2c: {  	_ =	sfence.sel $0x180000  }
0x2d: {  	[bflag:$0x0] =	sbarrier.arrive $0xFFFF  }
0x2e: {  	p0 =	sne.s32 s0, $0x0;
	_ =	strace $0x90000047  }
0x2f: {  	s0 =	sadd.s32 @!p0 $0x100000, s1;
	[bflag:$0x2] =	sbarrier.arrive $0xFFFF  }
0x30: {  	[sflag:s0] =	ssyncadd.tile.s32 @!p0 $0x1;
	_ =	shalt  }
.Lfunc_end2:
_tile_overlayer_lowered:
.L_overlay_start_2:
0x31: {  	(tag) =	ssettag $0x2  }
0x32: {  	s0 =	rddreg [dreg:$0x0];
	s2 =	stileid.u32  }
0x33: {  	s1 =	rddreg [dreg:$0x1];
	p0 =	sne.s32 s2, $0x0  }
0x34: {  	s3 =	rddreg [dreg:$0x2];
	[bflag:$0x3] =	sbarrier.arrive $0xFFFF;
	s2 =	simm.s32 @!p0 $0x1C01  }
0x35: {  	[timem:s3], [sflag:s2] =	dma.local @!p0 [hbm:s0], s1  }
0x36: {  	s0 =	simm.s32 @!p0 $0x1  }
0x37: {  	_ =	swait.ge @!p0 [sflag:s0], s1  }
0x38: {  	s1 =	ssub.s32 @!p0 $0x0, s1;
	[sflag:s0] =	ssyncset.done @!p0 $0x0  }
0x39: {  	[sflag:s0] =	ssyncadd.s32 @!p0 s1  }
0x3a: {  	[bflag:$0x3] =	sbarrier.arrive $0xFFFF  }
0x3b: {  	_ =	shalt  }

// kernel: kernel.13.cloned.1.call-start
scs
__scs_entry_jumppad:
0x0: {  	(pc) =	sbr.rel $0x88, $3  }
0x1: {  	(tag) =	ssettag $0x0;
	lr =	simm.s32 $0x1  }
0x2: {  	[smem:$0x3F8C] =	sst lr;
	_ =	strace $0xD0000000  }
0x3: {  	_ = 	snop  }
0x4: {  	_ = 	snop  }
0x5: {  	_ = 	snop  }
0x6: {  	_ = 	snop  }
0x7: {  	_ = 	snop  }
__scs_overlays_trampoline_lowered:
0x8: {  	[smem:$0x3F9B] =	sst s0  }
0x9: {  	[smem:$0x3F9C] =	sst s1  }
0xa: {  	[smem:$0x3F9D] =	sst s2  }
0xb: {  	[smem:$0x3F9E] =	sst s3  }
0xc: {  	[smem:$0x3F9F] =	sst s4  }
0xd: {  	[smem:$0x3FA0] =	sst s5  }
0xe: {  	[smem:$0x3FA1] =	sst s6  }
0xf: {  	[smem:$0x3FA2] =	sst s7  }
0x10: {  	[smem:$0x3FA3] =	sst s8  }
0x11: {  	[smem:$0x3FA4] =	sst s9;
	s0 =	simm.s32 @!p0 $0x0  }
0x12: {  	s1 =	sld [smem:$0x3F8A];
	s0 =	simm.s32 @p0 $0x1  }
0x13: {  	[smem:$0x3FA5] =	sst s0;
	s0 =	simm.s32 @!p1 $0x0  }
0x14: {  	s2 =	sld [smem:$0x3F89];
	s0 =	simm.s32 @p1 $0x1  }
0x15: {  	[smem:$0x3FA6] =	sst s0;
	s0 =	simm.s32 @!p2 $0x0  }
0x16: {  	s3 =	sld [smem:$0x3FDB];
	s0 =	simm.s32 @p2 $0x1  }
0x17: {  	s4 =	simm.s32 $0x1BF5;
	[smem:$0x3FA8] =	sst s0  }
0x18: {  	s0 =	sld [smem:$0x3F8B];
	_ =	swait.ge [sflag:s4], $0x0  }
0x19: {  	s7 =	sld [smem:$0x3F8C]  }
0x1a: {  	s8 =	sadd.s32 $0xFFFFE003, lr  }
0x1b: {  	s9 =	sadd.s32 $0xFFFFFEF7, lr;
	s5 =	simm.s32 $0xFFFFFFFF;
	p2 =	slt.u32 s8, $0xFFFFF086  }
0x1c: {  	p1 =	slt.u32 s9, $0xF7A;
	s5 =	simm.s32 @!p2 $0x0  }
0x1d: {  	s5 =	simm.s32 @p1 $0x1;
	p0 =	seq.s32 s7, s2  }
0x1e: {  	s7 =	smul.u32 @!p0 $0xF7A, s2;
	p2 =	seq.s32 @!p0 s5, $0x0  }
0x1f: {  	s9 =	smul.u32 $0xF7A, s1;
	s8 =	simm.s32 @!p0 $0x1BF5;
	p2 =	por !p2, p0  }
0x20: {  	[sflag:s8] =	ssyncset.s32 @!p0 $0xFFFFF086;
	s6 =	sadd.s32 @!p0 s3, s7;
	s7 =	simm.s32 @!p0 $0x108  }
0x21: {  	s3 =	sadd.s32 s3, s9;
	s6 =	sadd.s32 @!p0 $0x88, s6;
	s7 =	simm.s32 @p2 $0x1082  }
0x22: {  	[simem:s7], [sflag:s8] =	dma.local @!p0 [hbm:s6], $0xF7A  }
0x23: {  	s9 =	sor.u32 $0xD0000000, s2;
	s6 =	simm.s32 $0x108;
	_ =	swait.ge @!p0 [sflag:s8], $0x0  }
0x24: {  	s3 =	sadd.s32 $0x88, s3;
	s6 =	simm.s32 @!p1 $0x1082;
	[sflag:s4] =	ssyncset.s32 $0xFFFFF086  }
0x25: {  	[simem:s6], [sflag:s4] =	dma.local [hbm:s3], $0xF7A  }
0x26: {  	[smem:$0x3F8C] =	sst s1;
	(tag) =	ssettag s2;
	_ =	strace s9  }
0x27: {  	s1 =	sld [smem:$0x3F9C]  }
0x28: {  	s2 =	sld [smem:$0x3F9D]  }
0x29: {  	s4 =	sld [smem:$0x3F9F]  }
0x2a: {  	p0 =	seq.s32 s5, $0x0;
	s5 =	sld [smem:$0x3FA0]  }
0x2b: {  	s6 =	sld [smem:$0x3FA1]  }
0x2c: {  	s7 =	sld [smem:$0x3FA2]  }
0x2d: {  	s3 =	simm.s32 $0x108;
	s8 =	sld [smem:$0x3FA3]  }
0x2e: {  	s3 =	simm.s32 @!p0 $0x1082;
	s9 =	sld [smem:$0x3FA4]  }
0x2f: {  	lr =	sadd.s32 s0, s3;
	s0 =	sld [smem:$0x3F9B]  }
0x30: {  	s3 =	sld [smem:$0x3F9E]  }
0x31: {  	[smem:$0x3FA7] =	sst s10  }
0x32: {  	s10 =	sld [smem:$0x3FA5];
	_ =	sdelay $0x3  }
0x33: {  	p0 =	seq.s32 s10, $0x1;
	s10 =	sld [smem:$0x3FA7];
	_ =	sdelay $0x3  }
0x34: {  	[smem:$0x3FA7] =	sst s10  }
0x35: {  	s10 =	sld [smem:$0x3FA6];
	_ =	sdelay $0x3  }
0x36: {  	p1 =	seq.s32 s10, $0x1;
	s10 =	sld [smem:$0x3FA7];
	_ =	sdelay $0x3  }
0x37: {  	[smem:$0x3FA7] =	sst s10  }
0x38: {  	s10 =	sld [smem:$0x3FA8]  }
0x39: {  	_ = 	snop;
	(pc) =	sbr.ind lr, $3  }
0x3a: {  	_ = 	snop  }
0x3b: {  	_ = 	snop  }
0x3c: {  	p2 =	seq.s32 s10, $0x1;
	s10 =	sld [smem:$0x3FA7]  }
0x3d: {  	_ =	shalt  }
0x3e: {  	_ =	shalt  }
0x3f: {  	_ =	shalt  }
0x40: {  	_ =	shalt  }
0x41: {  	_ =	shalt  }
0x42: {  	_ =	shalt  }
0x43: {  	_ =	shalt  }
0x44: {  	_ =	shalt  }
0x45: {  	_ =	shalt  }
0x46: {  	_ =	shalt  }
0x47: {  	_ =	shalt  }
0x48: {  	_ =	shalt  }
0x49: {  	_ =	shalt  }
0x4a: {  	_ =	shalt  }
0x4b: {  	_ =	shalt  }
0x4c: {  	_ =	shalt  }
0x4d: {  	_ =	shalt  }
0x4e: {  	_ =	shalt  }
0x4f: {  	_ =	shalt  }
0x50: {  	_ =	shalt  }
0x51: {  	_ =	shalt  }
0x52: {  	_ =	shalt  }
0x53: {  	_ =	shalt  }
0x54: {  	_ =	shalt  }
0x55: {  	_ =	shalt  }
0x56: {  	_ =	shalt  }
0x57: {  	_ =	shalt  }
0x58: {  	_ =	shalt  }
0x59: {  	_ =	shalt  }
0x5a: {  	_ =	shalt  }
0x5b: {  	_ =	shalt  }
0x5c: {  	_ =	shalt  }
0x5d: {  	_ =	shalt  }
0x5e: {  	_ =	shalt  }
0x5f: {  	_ =	shalt  }
0x60: {  	_ =	shalt  }
0x61: {  	_ =	shalt  }
0x62: {  	_ =	shalt  }
0x63: {  	_ =	shalt  }
0x64: {  	_ =	shalt  }
0x65: {  	_ =	shalt  }
0x66: {  	_ =	shalt  }
0x67: {  	_ =	shalt  }
0x68: {  	_ =	shalt  }
0x69: {  	_ =	shalt  }
0x6a: {  	_ =	shalt  }
0x6b: {  	_ =	shalt  }
0x6c: {  	_ =	shalt  }
0x6d: {  	_ =	shalt  }
0x6e: {  	_ =	shalt  }
0x6f: {  	_ =	shalt  }
0x70: {  	_ =	shalt  }
0x71: {  	_ =	shalt  }
0x72: {  	_ =	shalt  }
0x73: {  	_ =	shalt  }
0x74: {  	_ =	shalt  }
0x75: {  	_ =	shalt  }
0x76: {  	_ =	shalt  }
0x77: {  	_ =	shalt  }
0x78: {  	_ =	shalt  }
0x79: {  	_ =	shalt  }
0x7a: {  	_ =	shalt  }
0x7b: {  	_ =	shalt  }
0x7c: {  	_ =	shalt  }
0x7d: {  	_ =	shalt  }
0x7e: {  	_ =	shalt  }
0x7f: {  	_ =	shalt  }
0x80: {  	_ =	shalt  }
0x81: {  	_ =	shalt  }
0x82: {  	_ =	shalt  }
0x83: {  	_ =	shalt  }
0x84: {  	_ =	shalt  }
0x85: {  	_ =	shalt  }
0x86: {  	_ =	shalt  }
0x87: {  	_ =	shalt  }
.Lfunc_end0:
.L_simem_size_0:
called_computation.1_lowered:
.L_overlay_start_0:
0x88: {  	s2 =	sld [smem:$0x3FD9]  }
0x89: {  	s3 =	sld [smem:$0x3FFE];
	_ =	sdelay $0x1  }
0x8a: {  	s1 =	srdreg.scid  }
0x8b: {  	s0 =	sand.u32 $0x1, s1  }
0x8c: {  	s16 =	sshll.u32 s0, $0xA;
	s2 =	sadd.s32 s3, s2  }
0x8d: {  	s2 =	sadd.s32 s2, s16  }
0x8e: {  	[smem:$0x3FB3] =	sst s2  }
0x8f: {  	_ = 	snop  }
0x90: {  	(tm) =	ssettm $0x1  }
0x91: {  	s17 =	sld [smem:$0x3FFB];
	_ =	sdelay $0x3  }
0x92: {  	_ =	strace s17  }
0x93: {  	s2 =	sld [smem:$0x3FFC];
	_ =	sdelay $0x3  }
0x94: {  	_ =	strace s2  }
0x95: {  	s2 =	sld [smem:$0x3FFD];
	_ =	sdelay $0x3  }
0x96: {  	_ =	strace s2  }
0x97: {  	_ =	strace $0x8FFFFFFF  }
0x98: {  	s18 =	sld [smem:$0x3FDB];
	_ =	sdelay $0x1  }
0x99: {  	s19 =	simm.s32 $_scs_section_size  }
0x9a: {  	s4 =	simm.s32 $_size__tile_overlayer_lowered;
	s5 =	simm.s32 $_tile_overlayer_lowered  }
0x9b: {  	s22 =	simm.s32 $0x1BFF;
	s21 =	sshll.u32 s5, $0x1;
	s2 =	sadd.s32 s19, s18  }
0x9c: {  	s6 =	simm.s32 $0x0;
	s20 =	sshll.u32 s4, $0x1;
	s4 =	sadd.s32 s21, s2  }
0x9d: {  	[timem:s6], [sflag:s22] =	dma.local [hbm:s4], s20  }
0x9e: {  	_ =	swait.ge [sflag:s22], s20  }
0x9f: {  	s3 =	ssub.s32 $0x0, s20;
	[sflag:s22] =	ssyncset.done $0x0  }
0xa0: {  	[sflag:s22] =	ssyncadd.s32 s3;
	_ =	sdelay $0x1  }
0xa1: {  	s23 =	simm.s32 $0x1B8B  }
0xa2: {  	_ =	swait.ge [sflag:s23], $0x1  }
0xa3: {  	[sflag:s23] =	ssyncset.done $0x0  }
0xa4: {  	s25 =	simm.s32 $0x1B8E;
	s24 =	sld [smem:$0x3FFE];
	[sflag:s23] =	ssyncadd.s32 $0xFFFFFFFF  }
0xa5: {  	s26 =	simm.s32 $execute0_lowered;
	[smem:$0x3FD2] =	sst s25  }
0xa6: {  	s4 =	sshll.u32 s26, $0x1;
	_ =	strace $0x80000049;
	[dreg:$0x1] =	wrdreg $0xFFFFFFFF  }
0xa7: {  	s28 =	simm.s32 $_size_execute0_lowered;
	s2 =	sadd.s32 s2, s4;
	[dreg:$0x0] =	wrdreg $0x0  }
0xa8: {  	s4 =	sshll.u32 s28, $0x1;
	[dreg:$0x2] =	wrdreg s2  }
0xa9: {  	[dreg:$0x3] =	wrdreg s4  }
0xaa: {  	[dreg:$0x4] =	wrdreg $0xC0  }
0xab: {  	_ =	task [dreg:s6], $0x5FFFF  }
0xac: {  	[dreg:$0x1] =	wrdreg $0xFFFFFFFF  }
0xad: {  	[dreg:$0x0] =	wrdreg $0x60  }
0xae: {  	[dreg:$0x2] =	wrdreg s24  }
0xaf: {  	[dreg:$0x3] =	wrdreg $0x90000  }
0xb0: {  	[dreg:$0x4] =	wrdreg $0x9  }
0xb1: {  	_ =	task.clear_ibuf [dreg:s6], $0x5FFFF;
	_ =	strace $0x90000049  }
0xb2: {  	s29 =	simm.s32 $0x9;
	_ =	strace $0x8000004B  }
0xb3: {  	_ =	swait.ge [sflag:s29], $0x1  }
0xb4: {  	[sflag:s29] =	ssyncadd.s32 $0xFFFFFFFF  }
0xb5: {  	_ =	strace $0x9000004B  }
0xb6: {  	_ =	sfence  }
0xb7: {  	s30 =	sld [smem:$0x0];
	_ =	sdelay $0x2  }
0xb8: {  	s31 =	sshll.u32 s1, $0xD;
	s1 =	sshrl.u32 s1, $0x2  }
0xb9: {  	s3 =	sand.u32 $0x4000, s31;
	s1 =	sadd.s32 s1, s30  }
0xba: {  	s0 =	sor.u32 s3, s0;
	s1 =	sshll.u32 s1, $0x11  }
0xbb: {  	s0 =	sor.u32 s1, s0  }
0xbc: {  	s0 =	sadd.s32 $0x8F2B, s0  }
0xbd: {  	[sflag:s0] =	ssyncadd.remote.s32 $0x1  }
0xbe: {  	_ =	sfence.sel $0xFFFF  }
0xbf: {  	[dreg:$0x0] =	wrdreg $0xFFFFFFFF;
	(pc) =	sbr.abs _section_cstart, $3  }
0xc0: {  	[dreg:$0x1] =	wrdreg $0xFFFFFFFF  }
0xc1: {  	_ =	task.clear_ibuf [dreg:s6], $0x2FFFF;
	_ =	strace $0x9FFFFFFF  }
0xc2: {  	(tm) =	ssettm $0x7FFFFFFF  }
0xc3: {  	_ =	shalt  }
tec
execute0_lowered:
.L_overlay_start_1:
0x0: {  	(tag) =	ssettag $0x1  }
0x1: {  	s7 =	rddreg [dreg:$0x0]  }
0x2: {  	s0 =	srdreg.scid;
	s2 =	rddreg [dreg:$0x1]  }
0x3: {  	s3 =	simm.s32 $0x0;
	s14 =	simm.s32 $0x80;
	s15 =	simm.s32 $0x5000  }
0x4: {  	s16 =	simm.s32 $0x1;
	s6 =	sand.u32 $0x1, s0;
	s0 =	stileid.u32  }
0x5: {  	s17 =	simm.s32 $0x0;
	[smem:$0x7FF] =	sst s3;
	s8 =	smul.u32 $0x140000, s6  }
0x6: {  	s4 =	sadd.s32 $0x10A00, s7;
	s1 =	sshll.u32 s6, $0x4;
	s9 =	smul.u32 $0x14000, s0  }
0x7: {  	s28 =	smul.u32 $0x50000, s0;
	s6 =	ssub.s32 $0x2, s6;
	s1 =	sor.u32 s0, s1  }
0x8: {  	s31 =	sshll.u32 s0, $0x6;
	s29 =	sshrl.u32 s6, $0x1;
	s5 =	smul.u32 $0x500, s1  }
0x9: {  	s1 =	rddreg [dreg:$0x2];
	_ =	strace $0x8000004A;
	s8 =	sadd.s32 s9, s8  }
0xa: {  	s30 =	sshrl.u32 s28, $0x2;
	s12 =	ssub.s32 s6, s29;
	s6 =	sor.u32 $0x1C02, s31  }
0xb: {  	s8 =	sshrl.u32 s8, $0x3;
	s13 =	sadd.s32 s30, s2;
	s10 =	sadd.s32 s5, s7  }
0xc: {  	s5 =	sadd.s32 $0xE200, s7;
	s11 =	sadd.s32 s8, s7;
	s7 =	sadd.s32 $0x61200, s10  }
0xd: {  	s8 =	sadd.s32 $0x4200, s10;
	s9 =	sadd.s32 $0x6B200, s11;
	s10 =	smax.u32 s12, $0x1  }
0xe: {  	s11 =	sshrl.u32 s13, $0x3;
	s12 =	simm.s32 $0x2;
	s13 =	simm.s32 $0x2800  }
.LBB2_1:
0xf: {  	[spmem:s11], [sflag:s6] =	dma.local [hbm:s5], $0x2800  }
0x10: {  	_ =	swait.ge [sflag:s12], $0x2800  }
0x11: {  	[sflag:s12] =	ssyncset.done $0x0  }
0x12: {  	[sflag:s12] =	ssyncadd.s32 $0xFFFFD800  }
0x13: {  	[tilespmem:s3], [sflag:$0x2] =	stream.linear.gather [hbm4b:s7+s3], $0x2780, $0x38;
	[tilespmem:$0x1D000] =	vst v63  }
0x14: {  	_ =	swait.ge [sflag:s12], $0x2780  }
0x15: {  	[sflag:s12] =	ssyncset.done $0x0  }
0x16: {  	[sflag:s12] =	ssyncadd.s32 $0xFFFFD880  }
0x17: {  	[tilespmem:s13], [sflag:$0x2] =	stream.linear.gather [hbm4b:s8+s3], $0x2780, $0x38;
	[tilespmem:$0x1D000] =	vst v63  }
0x18: {  	_ =	swait.ge [sflag:s12], $0x2780  }
0x19: {  	[sflag:s12] =	ssyncset.done $0x0  }
0x1a: {  	[sflag:s12] =	ssyncadd.s32 $0xFFFFD880  }
0x1b: {  	s18 =	simm.s32 $0x0;
	[bflag:$0x0] =	sbarrier.arrive $0xFFFF  }
0x1c: {  	[tilespmem:s15], [sflag:$0x1] =	stream.indirect.gather [hbm4b:s4+s14], $0x80, s18, s14, $0xb8;
	[tilespmem:$0x1D000] =	vst v63  }
0x1d: {  	_ =	swait.ge [sflag:s16], $0x4000  }
0x1e: {  	[sflag:s16] =	ssyncset.done $0x0  }
0x1f: {  	s31 =	simm.s32 $0x2800;
	[sflag:s16] =	ssyncadd.s32 $0xFFFFC000  }
0x20: {  	[spmem:s2] =	stream.indirect.scatter.add.f32 [tilespmem:s15], [sflag:$0x2], $0x80, s31, s14, $0xb8;
	[tilespmem:$0x1D000] =	vst v63  }
0x21: {  	_ =	swait.ge [sflag:s12], $0x4000  }
0x22: {  	s19 =	simm.s32 $0x400;
	s18 =	simm.s32 $0x200;
	[sflag:s12] =	ssyncset.done $0x0  }
.LBB2_2:
0x23: {  	s20 =	sshra.s32 s18, $0x2  }
0x24: {  	[sflag:s12] =	ssyncadd.s32 $0xFFFFC000;
	s18 =	smov.u32 s19;
	s21 =	sadd.s32 $0x200, s19  }
0x25: {  	[tilespmem:s15], [sflag:$0x1] =	stream.indirect.gather [hbm4b:s4+s14], $0x80, s20, s14, $0xb8;
	[tilespmem:$0x1D000] =	vst v63  }
0x26: {  	p0 =	sne.s32 s19, $0x9C00;
	_ =	swait.ge [sflag:s16], $0x4000  }
.Ltmp0:
0x27: {  	[sflag:s16] =	ssyncset.done $0x0;
	(pc) =	sbr.rel @p0 .LBB2_2-.Ltmp0, $4  }
0x28: {  	s19 =	sadd.s32 $0x2800, s20;
	[sflag:s16] =	ssyncadd.s32 $0xFFFFC000  }
0x29: {  	[spmem:s2] =	stream.indirect.scatter.add.f32 [tilespmem:s15], [sflag:$0x2], $0x80, s19, s14, $0xb8;
	[tilespmem:$0x1D000] =	vst v63  }
0x2a: {  	_ =	swait.ge [sflag:s12], $0x4000  }
0x2b: {  	s19 =	smov.u32 s21;
	[sflag:s12] =	ssyncset.done $0x0  }
0x2c: {  	s18 =	sshra.s32 s18, $0x2;
	[sflag:s12] =	ssyncadd.s32 $0xFFFFC000  }
0x2d: {  	[tilespmem:s15], [sflag:$0x1] =	stream.indirect.gather [hbm4b:s4+s14], $0x80, s18, s14, $0xb8;
	[tilespmem:$0x1D000] =	vst v63  }
0x2e: {  	_ =	swait.ge [sflag:s16], $0x4000  }
0x2f: {  	[sflag:s16] =	ssyncset.done $0x0  }
0x30: {  	s18 =	sadd.s32 $0x2800, s18;
	[sflag:s16] =	ssyncadd.s32 $0xFFFFC000  }
0x31: {  	[spmem:s2] =	stream.indirect.scatter.add.f32 [tilespmem:s15], [sflag:$0x2], $0x80, s18, s14, $0xb8;
	[tilespmem:$0x1D000] =	vst v63  }
0x32: {  	_ =	swait.ge [sflag:s12], $0x4000  }
0x33: {  	s17 =	sadd.s32 $0x1, s17;
	[sflag:s12] =	ssyncset.done $0x0  }
0x34: {  	p0 =	sne.s32 s17, s10;
	[sflag:s12] =	ssyncadd.s32 $0xFFFFC000  }
.Ltmp1:
0x35: {  	[bflag:$0x0] =	sbarrier.arrive $0xFFFF;
	(pc) =	sbr.rel @p0 .LBB2_1-.Ltmp1, $4  }
0x36: {  	[hbm:s9], [sflag:s6] =	dma.local [spmem:s11], $0x2800  }
0x37: {  	_ =	swait.ge [sflag:s12], $0x2800  }
0x38: {  	[sflag:s12] =	ssyncset.done $0x0  }
0x39: {  	[sflag:s12] =	ssyncadd.s32 $0xFFFFD800  }
0x3a: {  	_ =	sfence.sel $0x180000  }
0x3b: {  	[bflag:$0x0] =	sbarrier.arrive $0xFFFF  }
0x3c: {  	p0 =	sne.s32 s0, $0x0;
	_ =	strace $0x9000004A  }
0x3d: {  	s0 =	sadd.s32 @!p0 $0x100000, s1;
	[bflag:$0x2] =	sbarrier.arrive $0xFFFF  }
0x3e: {  	[sflag:s0] =	ssyncadd.tile.s32 @!p0 $0x1;
	_ =	shalt  }
.Lfunc_end2:
_tile_overlayer_lowered:
.L_overlay_start_2:
0x3f: {  	(tag) =	ssettag $0x2  }
0x40: {  	s0 =	rddreg [dreg:$0x0];
	s2 =	stileid.u32  }
0x41: {  	s1 =	rddreg [dreg:$0x1];
	p0 =	sne.s32 s2, $0x0  }
0x42: {  	s3 =	rddreg [dreg:$0x2];
	[bflag:$0x3] =	sbarrier.arrive $0xFFFF;
	s2 =	simm.s32 @!p0 $0x1C02  }
0x43: {  	[timem:s3], [sflag:s2] =	dma.local @!p0 [hbm:s0], s1  }
0x44: {  	s0 =	simm.s32 @!p0 $0x2  }
0x45: {  	_ =	swait.ge @!p0 [sflag:s0], s1  }
0x46: {  	s1 =	ssub.s32 @!p0 $0x0, s1;
	[sflag:s0] =	ssyncset.done @!p0 $0x0  }
0x47: {  	[sflag:s0] =	ssyncadd.s32 @!p0 s1  }
0x48: {  	[bflag:$0x3] =	sbarrier.arrive $0xFFFF  }
0x49: {  	_ =	shalt  }

// kernel: kernel.16.cloned.1.call-start
scs
__scs_entry_jumppad:
0x0: {  	(pc) =	sbr.rel $0x88, $3  }
0x1: {  	(tag) =	ssettag $0x0;
	lr =	simm.s32 $0x1  }
0x2: {  	[smem:$0x3F8C] =	sst lr;
	_ =	strace $0xD0000000  }
0x3: {  	_ = 	snop  }
0x4: {  	_ = 	snop  }
0x5: {  	_ = 	snop  }
0x6: {  	_ = 	snop  }
0x7: {  	_ = 	snop  }
__scs_overlays_trampoline_lowered:
0x8: {  	[smem:$0x3F9B] =	sst s0  }
0x9: {  	[smem:$0x3F9C] =	sst s1  }
0xa: {  	[smem:$0x3F9D] =	sst s2  }
0xb: {  	[smem:$0x3F9E] =	sst s3  }
0xc: {  	[smem:$0x3F9F] =	sst s4  }
0xd: {  	[smem:$0x3FA0] =	sst s5  }
0xe: {  	[smem:$0x3FA1] =	sst s6  }
0xf: {  	[smem:$0x3FA2] =	sst s7  }
0x10: {  	[smem:$0x3FA3] =	sst s8  }
0x11: {  	[smem:$0x3FA4] =	sst s9;
	s0 =	simm.s32 @!p0 $0x0  }
0x12: {  	s1 =	sld [smem:$0x3F8A];
	s0 =	simm.s32 @p0 $0x1  }
0x13: {  	[smem:$0x3FA5] =	sst s0;
	s0 =	simm.s32 @!p1 $0x0  }
0x14: {  	s2 =	sld [smem:$0x3F89];
	s0 =	simm.s32 @p1 $0x1  }
0x15: {  	[smem:$0x3FA6] =	sst s0;
	s0 =	simm.s32 @!p2 $0x0  }
0x16: {  	s3 =	sld [smem:$0x3FDB];
	s0 =	simm.s32 @p2 $0x1  }
0x17: {  	s4 =	simm.s32 $0x1BF5;
	[smem:$0x3FA8] =	sst s0  }
0x18: {  	s0 =	sld [smem:$0x3F8B];
	_ =	swait.ge [sflag:s4], $0x0  }
0x19: {  	s7 =	sld [smem:$0x3F8C]  }
0x1a: {  	s8 =	sadd.s32 $0xFFFFE003, lr  }
0x1b: {  	s9 =	sadd.s32 $0xFFFFFEF7, lr;
	s5 =	simm.s32 $0xFFFFFFFF;
	p2 =	slt.u32 s8, $0xFFFFF086  }
0x1c: {  	p1 =	slt.u32 s9, $0xF7A;
	s5 =	simm.s32 @!p2 $0x0  }
0x1d: {  	s5 =	simm.s32 @p1 $0x1;
	p0 =	seq.s32 s7, s2  }
0x1e: {  	s7 =	smul.u32 @!p0 $0xF7A, s2;
	p2 =	seq.s32 @!p0 s5, $0x0  }
0x1f: {  	s9 =	smul.u32 $0xF7A, s1;
	s8 =	simm.s32 @!p0 $0x1BF5;
	p2 =	por !p2, p0  }
0x20: {  	[sflag:s8] =	ssyncset.s32 @!p0 $0xFFFFF086;
	s6 =	sadd.s32 @!p0 s3, s7;
	s7 =	simm.s32 @!p0 $0x108  }
0x21: {  	s3 =	sadd.s32 s3, s9;
	s6 =	sadd.s32 @!p0 $0x88, s6;
	s7 =	simm.s32 @p2 $0x1082  }
0x22: {  	[simem:s7], [sflag:s8] =	dma.local @!p0 [hbm:s6], $0xF7A  }
0x23: {  	s9 =	sor.u32 $0xD0000000, s2;
	s6 =	simm.s32 $0x108;
	_ =	swait.ge @!p0 [sflag:s8], $0x0  }
0x24: {  	s3 =	sadd.s32 $0x88, s3;
	s6 =	simm.s32 @!p1 $0x1082;
	[sflag:s4] =	ssyncset.s32 $0xFFFFF086  }
0x25: {  	[simem:s6], [sflag:s4] =	dma.local [hbm:s3], $0xF7A  }
0x26: {  	[smem:$0x3F8C] =	sst s1;
	(tag) =	ssettag s2;
	_ =	strace s9  }
0x27: {  	s1 =	sld [smem:$0x3F9C]  }
0x28: {  	s2 =	sld [smem:$0x3F9D]  }
0x29: {  	s4 =	sld [smem:$0x3F9F]  }
0x2a: {  	p0 =	seq.s32 s5, $0x0;
	s5 =	sld [smem:$0x3FA0]  }
0x2b: {  	s6 =	sld [smem:$0x3FA1]  }
0x2c: {  	s7 =	sld [smem:$0x3FA2]  }
0x2d: {  	s3 =	simm.s32 $0x108;
	s8 =	sld [smem:$0x3FA3]  }
0x2e: {  	s3 =	simm.s32 @!p0 $0x1082;
	s9 =	sld [smem:$0x3FA4]  }
0x2f: {  	lr =	sadd.s32 s0, s3;
	s0 =	sld [smem:$0x3F9B]  }
0x30: {  	s3 =	sld [smem:$0x3F9E]  }
0x31: {  	[smem:$0x3FA7] =	sst s10  }
0x32: {  	s10 =	sld [smem:$0x3FA5];
	_ =	sdelay $0x3  }
0x33: {  	p0 =	seq.s32 s10, $0x1;
	s10 =	sld [smem:$0x3FA7];
	_ =	sdelay $0x3  }
0x34: {  	[smem:$0x3FA7] =	sst s10  }
0x35: {  	s10 =	sld [smem:$0x3FA6];
	_ =	sdelay $0x3  }
0x36: {  	p1 =	seq.s32 s10, $0x1;
	s10 =	sld [smem:$0x3FA7];
	_ =	sdelay $0x3  }
0x37: {  	[smem:$0x3FA7] =	sst s10  }
0x38: {  	s10 =	sld [smem:$0x3FA8]  }
0x39: {  	_ = 	snop;
	(pc) =	sbr.ind lr, $3  }
0x3a: {  	_ = 	snop  }
0x3b: {  	_ = 	snop  }
0x3c: {  	p2 =	seq.s32 s10, $0x1;
	s10 =	sld [smem:$0x3FA7]  }
0x3d: {  	_ =	shalt  }
0x3e: {  	_ =	shalt  }
0x3f: {  	_ =	shalt  }
0x40: {  	_ =	shalt  }
0x41: {  	_ =	shalt  }
0x42: {  	_ =	shalt  }
0x43: {  	_ =	shalt  }
0x44: {  	_ =	shalt  }
0x45: {  	_ =	shalt  }
0x46: {  	_ =	shalt  }
0x47: {  	_ =	shalt  }
0x48: {  	_ =	shalt  }
0x49: {  	_ =	shalt  }
0x4a: {  	_ =	shalt  }
0x4b: {  	_ =	shalt  }
0x4c: {  	_ =	shalt  }
0x4d: {  	_ =	shalt  }
0x4e: {  	_ =	shalt  }
0x4f: {  	_ =	shalt  }
0x50: {  	_ =	shalt  }
0x51: {  	_ =	shalt  }
0x52: {  	_ =	shalt  }
0x53: {  	_ =	shalt  }
0x54: {  	_ =	shalt  }
0x55: {  	_ =	shalt  }
0x56: {  	_ =	shalt  }
0x57: {  	_ =	shalt  }
0x58: {  	_ =	shalt  }
0x59: {  	_ =	shalt  }
0x5a: {  	_ =	shalt  }
0x5b: {  	_ =	shalt  }
0x5c: {  	_ =	shalt  }
0x5d: {  	_ =	shalt  }
0x5e: {  	_ =	shalt  }
0x5f: {  	_ =	shalt  }
0x60: {  	_ =	shalt  }
0x61: {  	_ =	shalt  }
0x62: {  	_ =	shalt  }
0x63: {  	_ =	shalt  }
0x64: {  	_ =	shalt  }
0x65: {  	_ =	shalt  }
0x66: {  	_ =	shalt  }
0x67: {  	_ =	shalt  }
0x68: {  	_ =	shalt  }
0x69: {  	_ =	shalt  }
0x6a: {  	_ =	shalt  }
0x6b: {  	_ =	shalt  }
0x6c: {  	_ =	shalt  }
0x6d: {  	_ =	shalt  }
0x6e: {  	_ =	shalt  }
0x6f: {  	_ =	shalt  }
0x70: {  	_ =	shalt  }
0x71: {  	_ =	shalt  }
0x72: {  	_ =	shalt  }
0x73: {  	_ =	shalt  }
0x74: {  	_ =	shalt  }
0x75: {  	_ =	shalt  }
0x76: {  	_ =	shalt  }
0x77: {  	_ =	shalt  }
0x78: {  	_ =	shalt  }
0x79: {  	_ =	shalt  }
0x7a: {  	_ =	shalt  }
0x7b: {  	_ =	shalt  }
0x7c: {  	_ =	shalt  }
0x7d: {  	_ =	shalt  }
0x7e: {  	_ =	shalt  }
0x7f: {  	_ =	shalt  }
0x80: {  	_ =	shalt  }
0x81: {  	_ =	shalt  }
0x82: {  	_ =	shalt  }
0x83: {  	_ =	shalt  }
0x84: {  	_ =	shalt  }
0x85: {  	_ =	shalt  }
0x86: {  	_ =	shalt  }
0x87: {  	_ =	shalt  }
.Lfunc_end0:
.L_simem_size_0:
called_computation.2_lowered:
.L_overlay_start_0:
0x88: {  	s2 =	sld [smem:$0x3FD9]  }
0x89: {  	s3 =	sld [smem:$0x3FFE];
	_ =	sdelay $0x1  }
0x8a: {  	s1 =	srdreg.scid  }
0x8b: {  	s0 =	sand.u32 $0x1, s1  }
0x8c: {  	s16 =	sshll.u32 s0, $0xA;
	s2 =	sadd.s32 s3, s2  }
0x8d: {  	s2 =	sadd.s32 s2, s16  }
0x8e: {  	[smem:$0x3FB3] =	sst s2  }
0x8f: {  	_ = 	snop  }
0x90: {  	(tm) =	ssettm $0x1  }
0x91: {  	s17 =	sld [smem:$0x3FFB];
	_ =	sdelay $0x3  }
0x92: {  	_ =	strace s17  }
0x93: {  	s2 =	sld [smem:$0x3FFC];
	_ =	sdelay $0x3  }
0x94: {  	_ =	strace s2  }
0x95: {  	s2 =	sld [smem:$0x3FFD];
	_ =	sdelay $0x3  }
0x96: {  	_ =	strace s2  }
0x97: {  	_ =	strace $0x8FFFFFFF  }
0x98: {  	s18 =	sld [smem:$0x3FDB];
	_ =	sdelay $0x1  }
0x99: {  	s19 =	simm.s32 $_scs_section_size  }
0x9a: {  	s4 =	simm.s32 $_size__tile_overlayer_lowered;
	s5 =	simm.s32 $_tile_overlayer_lowered  }
0x9b: {  	s22 =	simm.s32 $0x1BFF;
	s21 =	sshll.u32 s5, $0x1;
	s2 =	sadd.s32 s19, s18  }
0x9c: {  	s6 =	simm.s32 $0x0;
	s20 =	sshll.u32 s4, $0x1;
	s4 =	sadd.s32 s21, s2  }
0x9d: {  	[timem:s6], [sflag:s22] =	dma.local [hbm:s4], s20  }
0x9e: {  	_ =	swait.ge [sflag:s22], s20  }
0x9f: {  	s3 =	ssub.s32 $0x0, s20;
	[sflag:s22] =	ssyncset.done $0x0  }
0xa0: {  	[sflag:s22] =	ssyncadd.s32 s3;
	_ =	sdelay $0x1  }
0xa1: {  	s23 =	simm.s32 $0x1B8B  }
0xa2: {  	_ =	swait.ge [sflag:s23], $0x1  }
0xa3: {  	[sflag:s23] =	ssyncset.done $0x0  }
0xa4: {  	s25 =	simm.s32 $0x1B8E;
	s24 =	sld [smem:$0x3FFE];
	[sflag:s23] =	ssyncadd.s32 $0xFFFFFFFF  }
0xa5: {  	s26 =	simm.s32 $execute0_lowered;
	[smem:$0x3FD2] =	sst s25  }
0xa6: {  	s4 =	sshll.u32 s26, $0x1;
	_ =	strace $0x8000004C;
	[dreg:$0x1] =	wrdreg $0xFFFFFFFF  }
0xa7: {  	s28 =	simm.s32 $_size_execute0_lowered;
	s2 =	sadd.s32 s2, s4;
	[dreg:$0x0] =	wrdreg $0x0  }
0xa8: {  	s4 =	sshll.u32 s28, $0x1;
	[dreg:$0x2] =	wrdreg s2  }
0xa9: {  	[dreg:$0x3] =	wrdreg s4  }
0xaa: {  	[dreg:$0x4] =	wrdreg $0xC0  }
0xab: {  	_ =	task [dreg:s6], $0x5FFFF  }
0xac: {  	[dreg:$0x1] =	wrdreg $0xFFFFFFFF  }
0xad: {  	[dreg:$0x0] =	wrdreg $0x60  }
0xae: {  	[dreg:$0x2] =	wrdreg s24  }
0xaf: {  	[dreg:$0x3] =	wrdreg $0x90000  }
0xb0: {  	[dreg:$0x4] =	wrdreg $0x9  }
0xb1: {  	_ =	task.clear_ibuf [dreg:s6], $0x5FFFF;
	_ =	strace $0x9000004C  }
0xb2: {  	s29 =	simm.s32 $0x9;
	_ =	strace $0x8000004E  }
0xb3: {  	_ =	swait.ge [sflag:s29], $0x1  }
0xb4: {  	[sflag:s29] =	ssyncadd.s32 $0xFFFFFFFF  }
0xb5: {  	_ =	strace $0x9000004E  }
0xb6: {  	_ =	sfence  }
0xb7: {  	s30 =	sld [smem:$0x0];
	_ =	sdelay $0x2  }
0xb8: {  	s31 =	sshll.u32 s1, $0xD;
	s1 =	sshrl.u32 s1, $0x2  }
0xb9: {  	s3 =	sand.u32 $0x4000, s31;
	s1 =	sadd.s32 s1, s30  }
0xba: {  	s0 =	sor.u32 s3, s0;
	s1 =	sshll.u32 s1, $0x11  }
0xbb: {  	s0 =	sor.u32 s1, s0  }
0xbc: {  	s0 =	sadd.s32 $0x8F2B, s0  }
0xbd: {  	[sflag:s0] =	ssyncadd.remote.s32 $0x1  }
0xbe: {  	_ =	sfence.sel $0xFFFF  }
0xbf: {  	[dreg:$0x0] =	wrdreg $0xFFFFFFFF;
	(pc) =	sbr.abs _section_cstart, $3  }
0xc0: {  	[dreg:$0x1] =	wrdreg $0xFFFFFFFF  }
0xc1: {  	_ =	task.clear_ibuf [dreg:s6], $0x2FFFF;
	_ =	strace $0x9FFFFFFF  }
0xc2: {  	(tm) =	ssettm $0x7FFFFFFF  }
0xc3: {  	_ =	shalt  }
tec
execute0_lowered:
.L_overlay_start_1:
0x0: {  	(tag) =	ssettag $0x1  }
0x1: {  	s7 =	rddreg [dreg:$0x0]  }
0x2: {  	s0 =	srdreg.scid;
	s2 =	rddreg [dreg:$0x1]  }
0x3: {  	s3 =	simm.s32 $0x0;
	s14 =	simm.s32 $0x80;
	s15 =	simm.s32 $0x5000  }
0x4: {  	s16 =	simm.s32 $0x1;
	s6 =	sand.u32 $0x1, s0;
	s0 =	stileid.u32  }
0x5: {  	s17 =	simm.s32 $0x0;
	[smem:$0x7FF] =	sst s3;
	s8 =	smul.u32 $0x140000, s6  }
0x6: {  	s4 =	sadd.s32 $0x10A00, s7;
	s1 =	sshll.u32 s6, $0x4;
	s9 =	smul.u32 $0x14000, s0  }
0x7: {  	s28 =	smul.u32 $0x50000, s0;
	s6 =	ssub.s32 $0x2, s6;
	s1 =	sor.u32 s0, s1  }
0x8: {  	s31 =	sshll.u32 s0, $0x6;
	s29 =	sshrl.u32 s6, $0x1;
	s5 =	smul.u32 $0x500, s1  }
0x9: {  	s1 =	rddreg [dreg:$0x2];
	_ =	strace $0x8000004D;
	s8 =	sadd.s32 s9, s8  }
0xa: {  	s30 =	sshrl.u32 s28, $0x2;
	s12 =	ssub.s32 s6, s29;
	s6 =	sor.u32 $0x1C02, s31  }
0xb: {  	s8 =	sshrl.u32 s8, $0x3;
	s13 =	sadd.s32 s30, s2;
	s10 =	sadd.s32 s5, s7  }
0xc: {  	s5 =	sadd.s32 $0xE200, s7;
	s11 =	sadd.s32 s8, s7;
	s7 =	sadd.s32 $0x61200, s10  }
0xd: {  	s8 =	sadd.s32 $0x4200, s10;
	s9 =	sadd.s32 $0x6B200, s11;
	s10 =	smax.u32 s12, $0x1  }
0xe: {  	s11 =	sshrl.u32 s13, $0x3;
	s12 =	simm.s32 $0x2;
	s13 =	simm.s32 $0x2800  }
.LBB2_1:
0xf: {  	[spmem:s11], [sflag:s6] =	dma.local [hbm:s5], $0x2800  }
0x10: {  	_ =	swait.ge [sflag:s12], $0x2800  }
0x11: {  	[sflag:s12] =	ssyncset.done $0x0  }
0x12: {  	[sflag:s12] =	ssyncadd.s32 $0xFFFFD800  }
0x13: {  	[tilespmem:s3], [sflag:$0x2] =	stream.linear.gather [hbm4b:s7+s3], $0x2780, $0x38;
	[tilespmem:$0x1D000] =	vst v63  }
0x14: {  	_ =	swait.ge [sflag:s12], $0x2780  }
0x15: {  	[sflag:s12] =	ssyncset.done $0x0  }
0x16: {  	[sflag:s12] =	ssyncadd.s32 $0xFFFFD880  }
0x17: {  	[tilespmem:s13], [sflag:$0x2] =	stream.linear.gather [hbm4b:s8+s3], $0x2780, $0x38;
	[tilespmem:$0x1D000] =	vst v63  }
0x18: {  	_ =	swait.ge [sflag:s12], $0x2780  }
0x19: {  	[sflag:s12] =	ssyncset.done $0x0  }
0x1a: {  	[sflag:s12] =	ssyncadd.s32 $0xFFFFD880  }
0x1b: {  	s18 =	simm.s32 $0x0;
	[bflag:$0x0] =	sbarrier.arrive $0xFFFF  }
0x1c: {  	[tilespmem:s15], [sflag:$0x1] =	stream.indirect.gather [hbm4b:s4+s14], $0x80, s18, s14, $0xb8;
	[tilespmem:$0x1D000] =	vst v63  }
0x1d: {  	_ =	swait.ge [sflag:s16], $0x4000  }
0x1e: {  	[sflag:s16] =	ssyncset.done $0x0  }
0x1f: {  	s31 =	simm.s32 $0x2800;
	[sflag:s16] =	ssyncadd.s32 $0xFFFFC000  }
0x20: {  	[spmem:s2] =	stream.indirect.scatter.add.f32 [tilespmem:s15], [sflag:$0x2], $0x80, s31, s14, $0xb8;
	[tilespmem:$0x1D000] =	vst v63  }
0x21: {  	_ =	swait.ge [sflag:s12], $0x4000  }
0x22: {  	s19 =	simm.s32 $0x400;
	s18 =	simm.s32 $0x200;
	[sflag:s12] =	ssyncset.done $0x0  }
.LBB2_2:
0x23: {  	s20 =	sshra.s32 s18, $0x2  }
0x24: {  	[sflag:s12] =	ssyncadd.s32 $0xFFFFC000;
	s18 =	smov.u32 s19;
	s21 =	sadd.s32 $0x200, s19  }
0x25: {  	[tilespmem:s15], [sflag:$0x1] =	stream.indirect.gather [hbm4b:s4+s14], $0x80, s20, s14, $0xb8;
	[tilespmem:$0x1D000] =	vst v63  }
0x26: {  	p0 =	sne.s32 s19, $0x9C00;
	_ =	swait.ge [sflag:s16], $0x4000  }
.Ltmp0:
0x27: {  	[sflag:s16] =	ssyncset.done $0x0;
	(pc) =	sbr.rel @p0 .LBB2_2-.Ltmp0, $4  }
0x28: {  	s19 =	sadd.s32 $0x2800, s20;
	[sflag:s16] =	ssyncadd.s32 $0xFFFFC000  }
0x29: {  	[spmem:s2] =	stream.indirect.scatter.add.f32 [tilespmem:s15], [sflag:$0x2], $0x80, s19, s14, $0xb8;
	[tilespmem:$0x1D000] =	vst v63  }
0x2a: {  	_ =	swait.ge [sflag:s12], $0x4000  }
0x2b: {  	s19 =	smov.u32 s21;
	[sflag:s12] =	ssyncset.done $0x0  }
0x2c: {  	s18 =	sshra.s32 s18, $0x2;
	[sflag:s12] =	ssyncadd.s32 $0xFFFFC000  }
0x2d: {  	[tilespmem:s15], [sflag:$0x1] =	stream.indirect.gather [hbm4b:s4+s14], $0x80, s18, s14, $0xb8;
	[tilespmem:$0x1D000] =	vst v63  }
0x2e: {  	_ =	swait.ge [sflag:s16], $0x4000  }
0x2f: {  	[sflag:s16] =	ssyncset.done $0x0  }
0x30: {  	s18 =	sadd.s32 $0x2800, s18;
	[sflag:s16] =	ssyncadd.s32 $0xFFFFC000  }
0x31: {  	[spmem:s2] =	stream.indirect.scatter.add.f32 [tilespmem:s15], [sflag:$0x2], $0x80, s18, s14, $0xb8;
	[tilespmem:$0x1D000] =	vst v63  }
0x32: {  	_ =	swait.ge [sflag:s12], $0x4000  }
0x33: {  	s17 =	sadd.s32 $0x1, s17;
	[sflag:s12] =	ssyncset.done $0x0  }
0x34: {  	p0 =	sne.s32 s17, s10;
	[sflag:s12] =	ssyncadd.s32 $0xFFFFC000  }
.Ltmp1:
0x35: {  	[bflag:$0x0] =	sbarrier.arrive $0xFFFF;
	(pc) =	sbr.rel @p0 .LBB2_1-.Ltmp1, $4  }
0x36: {  	[hbm:s9], [sflag:s6] =	dma.local [spmem:s11], $0x2800  }
0x37: {  	_ =	swait.ge [sflag:s12], $0x2800  }
0x38: {  	[sflag:s12] =	ssyncset.done $0x0  }
0x39: {  	[sflag:s12] =	ssyncadd.s32 $0xFFFFD800  }
0x3a: {  	_ =	sfence.sel $0x180000  }
0x3b: {  	[bflag:$0x0] =	sbarrier.arrive $0xFFFF  }
0x3c: {  	p0 =	sne.s32 s0, $0x0;
	_ =	strace $0x9000004D  }
0x3d: {  	s0 =	sadd.s32 @!p0 $0x100000, s1;
	[bflag:$0x2] =	sbarrier.arrive $0xFFFF  }
0x3e: {  	[sflag:s0] =	ssyncadd.tile.s32 @!p0 $0x1;
	_ =	shalt  }
.Lfunc_end2:
_tile_overlayer_lowered:
.L_overlay_start_2:
0x3f: {  	(tag) =	ssettag $0x2  }
0x40: {  	s0 =	rddreg [dreg:$0x0];
	s2 =	stileid.u32  }
0x41: {  	s1 =	rddreg [dreg:$0x1];
	p0 =	sne.s32 s2, $0x0  }
0x42: {  	s3 =	rddreg [dreg:$0x2];
	[bflag:$0x3] =	sbarrier.arrive $0xFFFF;
	s2 =	simm.s32 @!p0 $0x1C02  }
0x43: {  	[timem:s3], [sflag:s2] =	dma.local @!p0 [hbm:s0], s1  }
0x44: {  	s0 =	simm.s32 @!p0 $0x2  }
0x45: {  	_ =	swait.ge @!p0 [sflag:s0], s1  }
0x46: {  	s1 =	ssub.s32 @!p0 $0x0, s1;
	[sflag:s0] =	ssyncset.done @!p0 $0x0  }
0x47: {  	[sflag:s0] =	ssyncadd.s32 @!p0 s1  }
0x48: {  	[bflag:$0x3] =	sbarrier.arrive $0xFFFF  }
0x49: {  	_ =	shalt  }

// kernel: kernel.19.cloned.1.call-start
scs
__scs_entry_jumppad:
0x0: {  	(pc) =	sbr.rel $0x88, $3  }
0x1: {  	(tag) =	ssettag $0x0;
	lr =	simm.s32 $0x1  }
0x2: {  	[smem:$0x3F8C] =	sst lr;
	_ =	strace $0xD0000000  }
0x3: {  	_ = 	snop  }
0x4: {  	_ = 	snop  }
0x5: {  	_ = 	snop  }
0x6: {  	_ = 	snop  }
0x7: {  	_ = 	snop  }
__scs_overlays_trampoline_lowered:
0x8: {  	[smem:$0x3F9B] =	sst s0  }
0x9: {  	[smem:$0x3F9C] =	sst s1  }
0xa: {  	[smem:$0x3F9D] =	sst s2  }
0xb: {  	[smem:$0x3F9E] =	sst s3  }
0xc: {  	[smem:$0x3F9F] =	sst s4  }
0xd: {  	[smem:$0x3FA0] =	sst s5  }
0xe: {  	[smem:$0x3FA1] =	sst s6  }
0xf: {  	[smem:$0x3FA2] =	sst s7  }
0x10: {  	[smem:$0x3FA3] =	sst s8  }
0x11: {  	[smem:$0x3FA4] =	sst s9;
	s0 =	simm.s32 @!p0 $0x0  }
0x12: {  	s1 =	sld [smem:$0x3F8A];
	s0 =	simm.s32 @p0 $0x1  }
0x13: {  	[smem:$0x3FA5] =	sst s0;
	s0 =	simm.s32 @!p1 $0x0  }
0x14: {  	s2 =	sld [smem:$0x3F89];
	s0 =	simm.s32 @p1 $0x1  }
0x15: {  	[smem:$0x3FA6] =	sst s0;
	s0 =	simm.s32 @!p2 $0x0  }
0x16: {  	s3 =	sld [smem:$0x3FDB];
	s0 =	simm.s32 @p2 $0x1  }
0x17: {  	s4 =	simm.s32 $0x1BF5;
	[smem:$0x3FA8] =	sst s0  }
0x18: {  	s0 =	sld [smem:$0x3F8B];
	_ =	swait.ge [sflag:s4], $0x0  }
0x19: {  	s7 =	sld [smem:$0x3F8C]  }
0x1a: {  	s8 =	sadd.s32 $0xFFFFE003, lr  }
0x1b: {  	s9 =	sadd.s32 $0xFFFFFEF7, lr;
	s5 =	simm.s32 $0xFFFFFFFF;
	p2 =	slt.u32 s8, $0xFFFFF086  }
0x1c: {  	p1 =	slt.u32 s9, $0xF7A;
	s5 =	simm.s32 @!p2 $0x0  }
0x1d: {  	s5 =	simm.s32 @p1 $0x1;
	p0 =	seq.s32 s7, s2  }
0x1e: {  	s7 =	smul.u32 @!p0 $0xF7A, s2;
	p2 =	seq.s32 @!p0 s5, $0x0  }
0x1f: {  	s9 =	smul.u32 $0xF7A, s1;
	s8 =	simm.s32 @!p0 $0x1BF5;
	p2 =	por !p2, p0  }
0x20: {  	[sflag:s8] =	ssyncset.s32 @!p0 $0xFFFFF086;
	s6 =	sadd.s32 @!p0 s3, s7;
	s7 =	simm.s32 @!p0 $0x108  }
0x21: {  	s3 =	sadd.s32 s3, s9;
	s6 =	sadd.s32 @!p0 $0x88, s6;
	s7 =	simm.s32 @p2 $0x1082  }
0x22: {  	[simem:s7], [sflag:s8] =	dma.local @!p0 [hbm:s6], $0xF7A  }
0x23: {  	s9 =	sor.u32 $0xD0000000, s2;
	s6 =	simm.s32 $0x108;
	_ =	swait.ge @!p0 [sflag:s8], $0x0  }
0x24: {  	s3 =	sadd.s32 $0x88, s3;
	s6 =	simm.s32 @!p1 $0x1082;
	[sflag:s4] =	ssyncset.s32 $0xFFFFF086  }
0x25: {  	[simem:s6], [sflag:s4] =	dma.local [hbm:s3], $0xF7A  }
0x26: {  	[smem:$0x3F8C] =	sst s1;
	(tag) =	ssettag s2;
	_ =	strace s9  }
0x27: {  	s1 =	sld [smem:$0x3F9C]  }
0x28: {  	s2 =	sld [smem:$0x3F9D]  }
0x29: {  	s4 =	sld [smem:$0x3F9F]  }
0x2a: {  	p0 =	seq.s32 s5, $0x0;
	s5 =	sld [smem:$0x3FA0]  }
0x2b: {  	s6 =	sld [smem:$0x3FA1]  }
0x2c: {  	s7 =	sld [smem:$0x3FA2]  }
0x2d: {  	s3 =	simm.s32 $0x108;
	s8 =	sld [smem:$0x3FA3]  }
0x2e: {  	s3 =	simm.s32 @!p0 $0x1082;
	s9 =	sld [smem:$0x3FA4]  }
0x2f: {  	lr =	sadd.s32 s0, s3;
	s0 =	sld [smem:$0x3F9B]  }
0x30: {  	s3 =	sld [smem:$0x3F9E]  }
0x31: {  	[smem:$0x3FA7] =	sst s10  }
0x32: {  	s10 =	sld [smem:$0x3FA5];
	_ =	sdelay $0x3  }
0x33: {  	p0 =	seq.s32 s10, $0x1;
	s10 =	sld [smem:$0x3FA7];
	_ =	sdelay $0x3  }
0x34: {  	[smem:$0x3FA7] =	sst s10  }
0x35: {  	s10 =	sld [smem:$0x3FA6];
	_ =	sdelay $0x3  }
0x36: {  	p1 =	seq.s32 s10, $0x1;
	s10 =	sld [smem:$0x3FA7];
	_ =	sdelay $0x3  }
0x37: {  	[smem:$0x3FA7] =	sst s10  }
0x38: {  	s10 =	sld [smem:$0x3FA8]  }
0x39: {  	_ = 	snop;
	(pc) =	sbr.ind lr, $3  }
0x3a: {  	_ = 	snop  }
0x3b: {  	_ = 	snop  }
0x3c: {  	p2 =	seq.s32 s10, $0x1;
	s10 =	sld [smem:$0x3FA7]  }
0x3d: {  	_ =	shalt  }
0x3e: {  	_ =	shalt  }
0x3f: {  	_ =	shalt  }
0x40: {  	_ =	shalt  }
0x41: {  	_ =	shalt  }
0x42: {  	_ =	shalt  }
0x43: {  	_ =	shalt  }
0x44: {  	_ =	shalt  }
0x45: {  	_ =	shalt  }
0x46: {  	_ =	shalt  }
0x47: {  	_ =	shalt  }
0x48: {  	_ =	shalt  }
0x49: {  	_ =	shalt  }
0x4a: {  	_ =	shalt  }
0x4b: {  	_ =	shalt  }
0x4c: {  	_ =	shalt  }
0x4d: {  	_ =	shalt  }
0x4e: {  	_ =	shalt  }
0x4f: {  	_ =	shalt  }
0x50: {  	_ =	shalt  }
0x51: {  	_ =	shalt  }
0x52: {  	_ =	shalt  }
0x53: {  	_ =	shalt  }
0x54: {  	_ =	shalt  }
0x55: {  	_ =	shalt  }
0x56: {  	_ =	shalt  }
0x57: {  	_ =	shalt  }
0x58: {  	_ =	shalt  }
0x59: {  	_ =	shalt  }
0x5a: {  	_ =	shalt  }
0x5b: {  	_ =	shalt  }
0x5c: {  	_ =	shalt  }
0x5d: {  	_ =	shalt  }
0x5e: {  	_ =	shalt  }
0x5f: {  	_ =	shalt  }
0x60: {  	_ =	shalt  }
0x61: {  	_ =	shalt  }
0x62: {  	_ =	shalt  }
0x63: {  	_ =	shalt  }
0x64: {  	_ =	shalt  }
0x65: {  	_ =	shalt  }
0x66: {  	_ =	shalt  }
0x67: {  	_ =	shalt  }
0x68: {  	_ =	shalt  }
0x69: {  	_ =	shalt  }
0x6a: {  	_ =	shalt  }
0x6b: {  	_ =	shalt  }
0x6c: {  	_ =	shalt  }
0x6d: {  	_ =	shalt  }
0x6e: {  	_ =	shalt  }
0x6f: {  	_ =	shalt  }
0x70: {  	_ =	shalt  }
0x71: {  	_ =	shalt  }
0x72: {  	_ =	shalt  }
0x73: {  	_ =	shalt  }
0x74: {  	_ =	shalt  }
0x75: {  	_ =	shalt  }
0x76: {  	_ =	shalt  }
0x77: {  	_ =	shalt  }
0x78: {  	_ =	shalt  }
0x79: {  	_ =	shalt  }
0x7a: {  	_ =	shalt  }
0x7b: {  	_ =	shalt  }
0x7c: {  	_ =	shalt  }
0x7d: {  	_ =	shalt  }
0x7e: {  	_ =	shalt  }
0x7f: {  	_ =	shalt  }
0x80: {  	_ =	shalt  }
0x81: {  	_ =	shalt  }
0x82: {  	_ =	shalt  }
0x83: {  	_ =	shalt  }
0x84: {  	_ =	shalt  }
0x85: {  	_ =	shalt  }
0x86: {  	_ =	shalt  }
0x87: {  	_ =	shalt  }
.Lfunc_end0:
.L_simem_size_0:
called_computation.3_lowered:
.L_overlay_start_0:
0x88: {  	s2 =	sld [smem:$0x3FD9]  }
0x89: {  	s3 =	sld [smem:$0x3FFE];
	_ =	sdelay $0x1  }
0x8a: {  	s1 =	srdreg.scid  }
0x8b: {  	s0 =	sand.u32 $0x1, s1  }
0x8c: {  	s16 =	sshll.u32 s0, $0xA;
	s2 =	sadd.s32 s3, s2  }
0x8d: {  	s2 =	sadd.s32 s2, s16  }
0x8e: {  	[smem:$0x3FB3] =	sst s2  }
0x8f: {  	_ = 	snop  }
0x90: {  	(tm) =	ssettm $0x1  }
0x91: {  	s17 =	sld [smem:$0x3FFB];
	_ =	sdelay $0x3  }
0x92: {  	_ =	strace s17  }
0x93: {  	s2 =	sld [smem:$0x3FFC];
	_ =	sdelay $0x3  }
0x94: {  	_ =	strace s2  }
0x95: {  	s2 =	sld [smem:$0x3FFD];
	_ =	sdelay $0x3  }
0x96: {  	_ =	strace s2  }
0x97: {  	_ =	strace $0x8FFFFFFF  }
0x98: {  	s18 =	sld [smem:$0x3FDB];
	_ =	sdelay $0x1  }
0x99: {  	s19 =	simm.s32 $_scs_section_size  }
0x9a: {  	s4 =	simm.s32 $_size__tile_overlayer_lowered;
	s5 =	simm.s32 $_tile_overlayer_lowered  }
0x9b: {  	s22 =	simm.s32 $0x1BFF;
	s21 =	sshll.u32 s5, $0x1;
	s2 =	sadd.s32 s19, s18  }
0x9c: {  	s6 =	simm.s32 $0x0;
	s20 =	sshll.u32 s4, $0x1;
	s4 =	sadd.s32 s21, s2  }
0x9d: {  	[timem:s6], [sflag:s22] =	dma.local [hbm:s4], s20  }
0x9e: {  	_ =	swait.ge [sflag:s22], s20  }
0x9f: {  	s3 =	ssub.s32 $0x0, s20;
	[sflag:s22] =	ssyncset.done $0x0  }
0xa0: {  	[sflag:s22] =	ssyncadd.s32 s3;
	_ =	sdelay $0x1  }
0xa1: {  	s23 =	simm.s32 $0x1B8B  }
0xa2: {  	_ =	swait.ge [sflag:s23], $0x1  }
0xa3: {  	[sflag:s23] =	ssyncset.done $0x0  }
0xa4: {  	s25 =	simm.s32 $0x1B8E;
	s24 =	sld [smem:$0x3FFE];
	[sflag:s23] =	ssyncadd.s32 $0xFFFFFFFF  }
0xa5: {  	s26 =	simm.s32 $execute0_lowered;
	[smem:$0x3FD2] =	sst s25  }
0xa6: {  	s4 =	sshll.u32 s26, $0x1;
	_ =	strace $0x8000004F;
	[dreg:$0x1] =	wrdreg $0xFFFFFFFF  }
0xa7: {  	s28 =	simm.s32 $_size_execute0_lowered;
	s2 =	sadd.s32 s2, s4;
	[dreg:$0x0] =	wrdreg $0x0  }
0xa8: {  	s4 =	sshll.u32 s28, $0x1;
	[dreg:$0x2] =	wrdreg s2  }
0xa9: {  	[dreg:$0x3] =	wrdreg s4  }
0xaa: {  	[dreg:$0x4] =	wrdreg $0xC0  }
0xab: {  	_ =	task [dreg:s6], $0x5FFFF  }
0xac: {  	[dreg:$0x1] =	wrdreg $0xFFFFFFFF  }
0xad: {  	[dreg:$0x0] =	wrdreg $0x60  }
0xae: {  	[dreg:$0x2] =	wrdreg s24  }
0xaf: {  	[dreg:$0x3] =	wrdreg $0x90000  }
0xb0: {  	[dreg:$0x4] =	wrdreg $0x9  }
0xb1: {  	_ =	task.clear_ibuf [dreg:s6], $0x5FFFF;
	_ =	strace $0x9000004F  }
0xb2: {  	s29 =	simm.s32 $0x9;
	_ =	strace $0x80000051  }
0xb3: {  	_ =	swait.ge [sflag:s29], $0x1  }
0xb4: {  	[sflag:s29] =	ssyncadd.s32 $0xFFFFFFFF  }
0xb5: {  	_ =	strace $0x90000051  }
0xb6: {  	_ =	sfence  }
0xb7: {  	s30 =	sld [smem:$0x0];
	_ =	sdelay $0x2  }
0xb8: {  	s31 =	sshll.u32 s1, $0xD;
	s1 =	sshrl.u32 s1, $0x2  }
0xb9: {  	s3 =	sand.u32 $0x4000, s31;
	s1 =	sadd.s32 s1, s30  }
0xba: {  	s0 =	sor.u32 s3, s0;
	s1 =	sshll.u32 s1, $0x11  }
0xbb: {  	s0 =	sor.u32 s1, s0  }
0xbc: {  	s0 =	sadd.s32 $0x8F2B, s0  }
0xbd: {  	[sflag:s0] =	ssyncadd.remote.s32 $0x1  }
0xbe: {  	_ =	sfence.sel $0xFFFF  }
0xbf: {  	[dreg:$0x0] =	wrdreg $0xFFFFFFFF;
	(pc) =	sbr.abs _section_cstart, $3  }
0xc0: {  	[dreg:$0x1] =	wrdreg $0xFFFFFFFF  }
0xc1: {  	_ =	task.clear_ibuf [dreg:s6], $0x2FFFF;
	_ =	strace $0x9FFFFFFF  }
0xc2: {  	(tm) =	ssettm $0x7FFFFFFF  }
0xc3: {  	_ =	shalt  }
tec
execute0_lowered:
.L_overlay_start_1:
0x0: {  	(tag) =	ssettag $0x1  }
0x1: {  	s7 =	rddreg [dreg:$0x0]  }
0x2: {  	s0 =	srdreg.scid;
	s2 =	rddreg [dreg:$0x1]  }
0x3: {  	s3 =	simm.s32 $0x0;
	s14 =	simm.s32 $0x80;
	s15 =	simm.s32 $0x5000  }
0x4: {  	s16 =	simm.s32 $0x1;
	s6 =	sand.u32 $0x1, s0;
	s0 =	stileid.u32  }
0x5: {  	s17 =	simm.s32 $0x0;
	[smem:$0x7FF] =	sst s3;
	s8 =	smul.u32 $0x140000, s6  }
0x6: {  	s4 =	sadd.s32 $0x10A00, s7;
	s1 =	sshll.u32 s6, $0x4;
	s9 =	smul.u32 $0x14000, s0  }
0x7: {  	s28 =	smul.u32 $0x50000, s0;
	s6 =	ssub.s32 $0x2, s6;
	s1 =	sor.u32 s0, s1  }
0x8: {  	s31 =	sshll.u32 s0, $0x6;
	s29 =	sshrl.u32 s6, $0x1;
	s5 =	smul.u32 $0x500, s1  }
0x9: {  	s1 =	rddreg [dreg:$0x2];
	_ =	strace $0x80000050;
	s8 =	sadd.s32 s9, s8  }
0xa: {  	s30 =	sshrl.u32 s28, $0x2;
	s12 =	ssub.s32 s6, s29;
	s6 =	sor.u32 $0x1C02, s31  }
0xb: {  	s8 =	sshrl.u32 s8, $0x3;
	s13 =	sadd.s32 s30, s2;
	s10 =	sadd.s32 s5, s7  }
0xc: {  	s5 =	sadd.s32 $0xE200, s7;
	s11 =	sadd.s32 s8, s7;
	s7 =	sadd.s32 $0x61200, s10  }
0xd: {  	s8 =	sadd.s32 $0x4200, s10;
	s9 =	sadd.s32 $0x6B200, s11;
	s10 =	smax.u32 s12, $0x1  }
0xe: {  	s11 =	sshrl.u32 s13, $0x3;
	s12 =	simm.s32 $0x2;
	s13 =	simm.s32 $0x2800  }
.LBB2_1:
0xf: {  	[spmem:s11], [sflag:s6] =	dma.local [hbm:s5], $0x2800  }
0x10: {  	_ =	swait.ge [sflag:s12], $0x2800  }
0x11: {  	[sflag:s12] =	ssyncset.done $0x0  }
0x12: {  	[sflag:s12] =	ssyncadd.s32 $0xFFFFD800  }
0x13: {  	[tilespmem:s3], [sflag:$0x2] =	stream.linear.gather [hbm4b:s7+s3], $0x2780, $0x38;
	[tilespmem:$0x1D000] =	vst v63  }
0x14: {  	_ =	swait.ge [sflag:s12], $0x2780  }
0x15: {  	[sflag:s12] =	ssyncset.done $0x0  }
0x16: {  	[sflag:s12] =	ssyncadd.s32 $0xFFFFD880  }
0x17: {  	[tilespmem:s13], [sflag:$0x2] =	stream.linear.gather [hbm4b:s8+s3], $0x2780, $0x38;
	[tilespmem:$0x1D000] =	vst v63  }
0x18: {  	_ =	swait.ge [sflag:s12], $0x2780  }
0x19: {  	[sflag:s12] =	ssyncset.done $0x0  }
0x1a: {  	[sflag:s12] =	ssyncadd.s32 $0xFFFFD880  }
0x1b: {  	s18 =	simm.s32 $0x0;
	[bflag:$0x0] =	sbarrier.arrive $0xFFFF  }
0x1c: {  	[tilespmem:s15], [sflag:$0x1] =	stream.indirect.gather [hbm4b:s4+s14], $0x80, s18, s14, $0xb8;
	[tilespmem:$0x1D000] =	vst v63  }
0x1d: {  	_ =	swait.ge [sflag:s16], $0x4000  }
0x1e: {  	[sflag:s16] =	ssyncset.done $0x0  }
0x1f: {  	s31 =	simm.s32 $0x2800;
	[sflag:s16] =	ssyncadd.s32 $0xFFFFC000  }
0x20: {  	[spmem:s2] =	stream.indirect.scatter.add.f32 [tilespmem:s15], [sflag:$0x2], $0x80, s31, s14, $0xb8;
	[tilespmem:$0x1D000] =	vst v63  }
0x21: {  	_ =	swait.ge [sflag:s12], $0x4000  }
0x22: {  	s19 =	simm.s32 $0x400;
	s18 =	simm.s32 $0x200;
	[sflag:s12] =	ssyncset.done $0x0  }
.LBB2_2:
0x23: {  	s20 =	sshra.s32 s18, $0x2  }
0x24: {  	[sflag:s12] =	ssyncadd.s32 $0xFFFFC000;
	s18 =	smov.u32 s19;
	s21 =	sadd.s32 $0x200, s19  }
0x25: {  	[tilespmem:s15], [sflag:$0x1] =	stream.indirect.gather [hbm4b:s4+s14], $0x80, s20, s14, $0xb8;
	[tilespmem:$0x1D000] =	vst v63  }
0x26: {  	p0 =	sne.s32 s19, $0x9C00;
	_ =	swait.ge [sflag:s16], $0x4000  }
.Ltmp0:
0x27: {  	[sflag:s16] =	ssyncset.done $0x0;
	(pc) =	sbr.rel @p0 .LBB2_2-.Ltmp0, $4  }
0x28: {  	s19 =	sadd.s32 $0x2800, s20;
	[sflag:s16] =	ssyncadd.s32 $0xFFFFC000  }
0x29: {  	[spmem:s2] =	stream.indirect.scatter.add.f32 [tilespmem:s15], [sflag:$0x2], $0x80, s19, s14, $0xb8;
	[tilespmem:$0x1D000] =	vst v63  }
0x2a: {  	_ =	swait.ge [sflag:s12], $0x4000  }
0x2b: {  	s19 =	smov.u32 s21;
	[sflag:s12] =	ssyncset.done $0x0  }
0x2c: {  	s18 =	sshra.s32 s18, $0x2;
	[sflag:s12] =	ssyncadd.s32 $0xFFFFC000  }
0x2d: {  	[tilespmem:s15], [sflag:$0x1] =	stream.indirect.gather [hbm4b:s4+s14], $0x80, s18, s14, $0xb8;
	[tilespmem:$0x1D000] =	vst v63  }
0x2e: {  	_ =	swait.ge [sflag:s16], $0x4000  }
0x2f: {  	[sflag:s16] =	ssyncset.done $0x0  }
0x30: {  	s18 =	sadd.s32 $0x2800, s18;
	[sflag:s16] =	ssyncadd.s32 $0xFFFFC000  }
0x31: {  	[spmem:s2] =	stream.indirect.scatter.add.f32 [tilespmem:s15], [sflag:$0x2], $0x80, s18, s14, $0xb8;
	[tilespmem:$0x1D000] =	vst v63  }
0x32: {  	_ =	swait.ge [sflag:s12], $0x4000  }
0x33: {  	s17 =	sadd.s32 $0x1, s17;
	[sflag:s12] =	ssyncset.done $0x0  }
0x34: {  	p0 =	sne.s32 s17, s10;
	[sflag:s12] =	ssyncadd.s32 $0xFFFFC000  }
.Ltmp1:
0x35: {  	[bflag:$0x0] =	sbarrier.arrive $0xFFFF;
	(pc) =	sbr.rel @p0 .LBB2_1-.Ltmp1, $4  }
0x36: {  	[hbm:s9], [sflag:s6] =	dma.local [spmem:s11], $0x2800  }
0x37: {  	_ =	swait.ge [sflag:s12], $0x2800  }
0x38: {  	[sflag:s12] =	ssyncset.done $0x0  }
0x39: {  	[sflag:s12] =	ssyncadd.s32 $0xFFFFD800  }
0x3a: {  	_ =	sfence.sel $0x180000  }
0x3b: {  	[bflag:$0x0] =	sbarrier.arrive $0xFFFF  }
0x3c: {  	p0 =	sne.s32 s0, $0x0;
	_ =	strace $0x90000050  }
0x3d: {  	s0 =	sadd.s32 @!p0 $0x100000, s1;
	[bflag:$0x2] =	sbarrier.arrive $0xFFFF  }
0x3e: {  	[sflag:s0] =	ssyncadd.tile.s32 @!p0 $0x1;
	_ =	shalt  }
.Lfunc_end2:
_tile_overlayer_lowered:
.L_overlay_start_2:
0x3f: {  	(tag) =	ssettag $0x2  }
0x40: {  	s0 =	rddreg [dreg:$0x0];
	s2 =	stileid.u32  }
0x41: {  	s1 =	rddreg [dreg:$0x1];
	p0 =	sne.s32 s2, $0x0  }
0x42: {  	s3 =	rddreg [dreg:$0x2];
	[bflag:$0x3] =	sbarrier.arrive $0xFFFF;
	s2 =	simm.s32 @!p0 $0x1C02  }
0x43: {  	[timem:s3], [sflag:s2] =	dma.local @!p0 [hbm:s0], s1  }
0x44: {  	s0 =	simm.s32 @!p0 $0x2  }
0x45: {  	_ =	swait.ge @!p0 [sflag:s0], s1  }
0x46: {  	s1 =	ssub.s32 @!p0 $0x0, s1;
	[sflag:s0] =	ssyncset.done @!p0 $0x0  }
0x47: {  	[sflag:s0] =	ssyncadd.s32 @!p0 s1  }
0x48: {  	[bflag:$0x3] =	sbarrier.arrive $0xFFFF  }
0x49: {  	_ =	shalt  }

</sc_bundles>
